<compile_context>
chip_gen: v7x
topology: tpu7x:2x2x1
jax: 0.10.2.dev20260603
libtpu: 0.0.44.dev20260713+nightly
codegen_flags: <defaults>
</compile_context>

<pallas_src>
import dataclasses

import jax
import jax.numpy as jnp
from jax.experimental import pallas as pl
from jax.experimental.pallas import tpu as pltpu
from jax.experimental.pallas import tpu_sc as plsc

_B = 16
_N = 32768
_NT = 16
_CH = _N // _NT
_NV = _CH // 16

_mesh = plsc.VectorSubcoreMesh(core_axis_name="c", subcore_axis_name="s")

_F = jnp.float32

_cp = pltpu.CompilerParams()
if "needs_layout_passes" in pltpu.CompilerParams.__dataclass_fields__:
    _cp = dataclasses.replace(_cp, needs_layout_passes=False)


def _vfull(v):
    return jnp.full((16,), v, dtype=_F)


@jax.named_call
def _sc_loss(pred_pl, true_pl, seg):
    @pl.kernel(
        out_type=(jax.ShapeDtypeStruct((16,), _F),
                  jax.ShapeDtypeStruct((2, 16, 16), _F),
                  jax.ShapeDtypeStruct((_NT, 4, 16), _F)),
        mesh=_mesh,
        compiler_params=_cp,
        scratch_types=[
            pltpu.VMEM((_CH,), _F),
            pltpu.VMEM((_CH,), _F),
            pltpu.VMEM((_CH,), _F),
            pltpu.VMEM((_CH,), _F),
            pltpu.VMEM((_CH,), _F),
            pltpu.VMEM((_CH,), _F),
            pltpu.VMEM((_CH,), jnp.int32),
            pltpu.VMEM((2, 16, 16), _F),
            pltpu.VMEM((2, 16, 16), _F),
            pltpu.VMEM((4, 16), _F),
            pltpu.VMEM((4, 16, 16), _F),
            pltpu.VMEM((4, 16), _F),
            pltpu.VMEM((_NT, 4, 16), _F),
            pltpu.VMEM((16,), _F),
            pltpu.SemaphoreType.DMA,
            pltpu.SemaphoreType.DMA,
            pltpu.SemaphoreType.DMA,
            pltpu.SemaphoreType.DMA,
            pltpu.SemaphoreType.DMA,
            pltpu.SemaphoreType.DMA,
            pltpu.SemaphoreType.DMA,
        ],
    )
    def body(pf_hbm, tf_hbm, seg_hbm, out_hbm, xmm_hbm, xacc_hbm,
             px_t, py_t, pz_t, tx_t, ty_t, tz_t, seg_t,
             mm2_t, mm_t, thr_t, acc_t, acc2_t, part_t, res_t,
             sem1, sem2, sem3, sem4, sem5, sem6, sem7):
        core = jax.lax.axis_index("c")
        sub = jax.lax.axis_index("s")

        def main(_):
            a = sub * _CH
            cp1 = pltpu.async_copy(tf_hbm.at[pl.ds(2 * _N + a, _CH)], tz_t,
                                   sem1)
            cp2 = pltpu.async_copy(seg_hbm.at[pl.ds(a, _CH)], seg_t, sem2)
            cp3 = pltpu.async_copy(pf_hbm.at[pl.ds(a, _CH)], px_t, sem3)
            cp4 = pltpu.async_copy(pf_hbm.at[pl.ds(_N + a, _CH)], py_t, sem4)
            cp5 = pltpu.async_copy(pf_hbm.at[pl.ds(2 * _N + a, _CH)], pz_t,
                                   sem5)
            cp6 = pltpu.async_copy(tf_hbm.at[pl.ds(a, _CH)], tx_t, sem6)
            cp7 = pltpu.async_copy(tf_hbm.at[pl.ds(_N + a, _CH)], ty_t, sem7)

            lane = jax.lax.iota(jnp.int32, 16)

            def init_mm(s, _):
                mm2_t[0, s] = _vfull(jnp.inf)
                mm2_t[1, s] = _vfull(-jnp.inf)
                return 0

            jax.lax.fori_loop(0, 16, init_mm, 0)
            cp1.wait()
            cp2.wait()

            def vec_mm(i, _):
                sl = pl.ds(i * 16, 16)
                zv = tz_t[sl]
                sv = seg_t[sl]
                old_mn = plsc.load_gather(mm2_t.at[0], [sv, lane])
                plsc.store_scatter(mm2_t.at[0], [sv, lane],
                                   jnp.minimum(old_mn, zv))
                old_mx = plsc.load_gather(mm2_t.at[1], [sv, lane])
                plsc.store_scatter(mm2_t.at[1], [sv, lane],
                                   jnp.maximum(old_mx, zv))
                return 0

            jax.lax.fori_loop(0, _NV, vec_mm, 0)

            def row_red(s, c):
                rmin, rmax = c
                rmin = jnp.where(lane == s,
                                 jnp.broadcast_to(jnp.min(mm2_t[0, s]), (16,)),
                                 rmin)
                rmax = jnp.where(lane == s,
                                 jnp.broadcast_to(jnp.max(mm2_t[1, s]), (16,)),
                                 rmax)
                return rmin, rmax

            rmin, rmax = jax.lax.fori_loop(
                0, 16, row_red, (_vfull(jnp.inf), _vfull(-jnp.inf)))

            thr_t[0] = rmin
            thr_t[1] = rmax
            cpa = pltpu.async_copy(thr_t.at[0], xmm_hbm.at[0, sub], sem1)
            cpb = pltpu.async_copy(thr_t.at[1], xmm_hbm.at[1, sub], sem2)
            cpa.wait()
            cpb.wait()
            plsc.subcore_barrier()
            pltpu.sync_copy(xmm_hbm, mm_t)

            def red_mm(k, carry):
                mn, mx = carry
                return (jnp.minimum(mn, mm_t[0, k]), jnp.maximum(mx, mm_t[1, k]))

            mn, mx = jax.lax.fori_loop(0, 16, red_mm,
                                       (_vfull(jnp.inf), _vfull(-jnp.inf)))
            rng = mx - mn
            zb = mn + 0.405 * rng
            zt = mx - 0.405 * rng
            mid = (mn + mx) / 2.0
            half = 0.19 * (zt - zb) / 2.0
            thr_t[0] = zb
            thr_t[1] = zt
            thr_t[2] = mid - half
            thr_t[3] = mid + half

            def init_acc(s, _):
                acc_t[0, s] = _vfull(0.0)
                acc_t[1, s] = _vfull(0.0)
                acc_t[2, s] = _vfull(0.0)
                acc_t[3, s] = _vfull(0.0)
                return 0

            jax.lax.fori_loop(0, 16, init_acc, 0)
            cp3.wait()
            cp4.wait()
            cp5.wait()
            cp6.wait()
            cp7.wait()

            def hub1(d):
                ad = jnp.abs(d)
                return jnp.where(ad < 0.5, 0.5 * d * d, 0.5 * (ad - 0.25))

            def vec_sum(j, _):
                sl = pl.ds(j * 16, 16)
                sv = seg_t[sl]
                dx = px_t[sl] - tx_t[sl]
                dy = py_t[sl] - ty_t[sl]
                zv = tz_t[sl]
                dz = pz_t[sl] - zv
                hub = hub1(dx) + hub1(dy) + hub1(dz)
                sq = dx * dx + dy * dy + dz * dz
                zbv = plsc.load_gather(thr_t.at[0], [sv])
                ztv = plsc.load_gather(thr_t.at[1], [sv])
                fbv = plsc.load_gather(thr_t.at[2], [sv])
                ftv = plsc.load_gather(thr_t.at[3], [sv])
                fil = (zv >= zbv) & (zv <= ztv) & (zv >= fbv) & (zv <= ftv)
                filf = jnp.where(fil, _vfull(1.0), _vfull(0.0))
                plsc.addupdate_scatter(acc_t.at[0], [sv, lane], filf * hub)
                plsc.addupdate_scatter(acc_t.at[1], [sv, lane], filf)
                plsc.addupdate_scatter(acc_t.at[2], [sv, lane],
                                       (1.0 - filf) * sq)
                plsc.addupdate_scatter(acc_t.at[3], [sv, lane], _vfull(1.0))
                return 0

            jax.lax.fori_loop(0, _NV, vec_sum, 0)

            def lane_red(s, c):
                a0, a1, a2, a3 = c
                here = lane == s
                a0 = jnp.where(here,
                               jnp.broadcast_to(jnp.sum(acc_t[0, s]), (16,)), a0)
                a1 = jnp.where(here,
                               jnp.broadcast_to(jnp.sum(acc_t[1, s]), (16,)), a1)
                a2 = jnp.where(here,
                               jnp.broadcast_to(jnp.sum(acc_t[2, s]), (16,)), a2)
                a3 = jnp.where(here,
                               jnp.broadcast_to(jnp.sum(acc_t[3, s]), (16,)), a3)
                return a0, a1, a2, a3

            z16 = _vfull(0.0)
            a0, a1, a2, a3 = jax.lax.fori_loop(0, 16, lane_red,
                                               (z16, z16, z16, z16))
            acc2_t[0] = a0
            acc2_t[1] = a1
            acc2_t[2] = a2
            acc2_t[3] = a3
            cpc = pltpu.async_copy(acc2_t, xacc_hbm.at[sub], sem1)
            cpc.wait()
            plsc.subcore_barrier()

            def do_final(_):
                pltpu.sync_copy(xacc_hbm, part_t)
                z16 = _vfull(0.0)

                def tile_red(k, c):
                    fs, fc, es, cm = c
                    return (fs + part_t[k, 0], fc + part_t[k, 1],
                            es + part_t[k, 2], cm + part_t[k, 3])

                fs, fc, es, cm = jax.lax.fori_loop(0, _NT, tile_red,
                                                   (z16, z16, z16, z16))
                ec = cm - fc
                fil_mean = jnp.where(fc > 0, fs / (3.0 * jnp.maximum(fc, 1.0)),
                                     z16)
                ele_mean = jnp.where(ec > 0, es / (3.0 * jnp.maximum(ec, 1.0)),
                                     z16)
                loss = ((50.0 / _B) * jnp.sum(fil_mean)
                        + (1.0 / _B) * jnp.sum(ele_mean))
                res_t[...] = jnp.broadcast_to(loss, (16,))
                pltpu.sync_copy(res_t, out_hbm)
                return 0

            jax.lax.cond(sub == 0, do_final, lambda _: 0, 0)
            return 0

        jax.lax.cond(core == 0, main, lambda _: 0, 0)

    return body(pred_pl, true_pl, seg)


@jax.jit
def kernel(pred_coords, true_coords, batch_vector):
    pred_pl = pred_coords.T.reshape(3 * _N)
    true_pl = true_coords.T.reshape(3 * _N)
    seg = batch_vector.astype(jnp.int32)
    out, _, _ = _sc_loss(pred_pl, true_pl, seg)
    return out[0]

# --- scband reference (transcript-rebuilt; emitter-appended) ---
"""Pipeline reference for scband-memristor-physics-loss-63127429317283 (READ-ONLY COPY).

The authoritative reference and input builder live on the scoring server;
editing this copy changes nothing except your own understanding.
"""

import jax, jax.numpy as jnp
import numpy as np

B = 16
N = 32768


def _huber_elem(d, delta=0.5):
    ad = jnp.abs(d)
    return jnp.where(ad < delta, 0.5 * d * d, delta * (ad - 0.5 * delta))


def _weighted_reconstruction_loss(pred, true, bv, num_segments,
                                  filament_weight=50.0, electrode_weight=1.0,
                                  delta=0.5, electrode_fraction=0.405,
                                  filament_fraction=0.19):
    # filament masks are computed from TRUE coords (as in the torch code)
    z = true[:, 2]
    z_min = jax.ops.segment_min(z, bv, num_segments=num_segments)
    z_max = jax.ops.segment_max(z, bv, num_segments=num_segments)
    bottom_thr = z_min + electrode_fraction * (z_max - z_min)
    top_thr = z_max - electrode_fraction * (z_max - z_min)
    middle_z = (z_min + z_max) / 2.0
    half = filament_fraction * (top_thr - bottom_thr) / 2.0
    fil_bottom = middle_z - half
    fil_top = middle_z + half
    zb = bottom_thr[bv]
    zt = top_thr[bv]
    fb = fil_bottom[bv]
    ft = fil_top[bv]
    is_filament = (z >= zb) & (z <= zt) & (z >= fb) & (z <= ft)
    filf = is_filament.astype(jnp.float32)
    elef = 1.0 - filf
    d = pred - true
    hub_atom = _huber_elem(d, delta).sum(axis=1)   # per-atom huber summed over xyz
    sq_atom = (d * d).sum(axis=1)                  # per-atom squared err summed over xyz
    fil_sum = jax.ops.segment_sum(hub_atom * filf, bv, num_segments=num_segments)
    fil_cnt = jax.ops.segment_sum(filf, bv, num_segments=num_segments)
    ele_sum = jax.ops.segment_sum(sq_atom * elef, bv, num_segments=num_segments)
    ele_cnt = jax.ops.segment_sum(elef, bv, num_segments=num_segments)
    # per-graph mean over elements (3 coords per atom), skip empty groups
    fil_mean = jnp.where(fil_cnt > 0, fil_sum / (3.0 * jnp.maximum(fil_cnt, 1.0)), 0.0)
    ele_mean = jnp.where(ele_cnt > 0, ele_sum / (3.0 * jnp.maximum(ele_cnt, 1.0)), 0.0)
    avg_fil = fil_mean.sum() / num_segments
    avg_ele = ele_mean.sum() / num_segments
    return filament_weight * avg_fil + electrode_weight * avg_ele


def setup_inputs(seed: int = 0) -> dict:
    key = jax.random.key(seed)
    k1, k2, k3 = jax.random.split(key, 3)
    pred_coords = jax.random.normal(k1, (N, 3), dtype=jnp.float32)
    true_coords = jax.random.normal(k2, (N, 3), dtype=jnp.float32)
    batch_vector = jnp.sort(jax.random.randint(k3, (N,), 0, B)).astype(jnp.int64)
    return {"pred_coords": pred_coords, "true_coords": true_coords, "batch_vector": batch_vector}


def reference(pred_coords, true_coords, batch_vector):
    reconstruction_weight = 1.0
    recon = _weighted_reconstruction_loss(pred_coords, true_coords, batch_vector, B)
    return reconstruction_weight * recon

if __name__ == "__main__":
    import jax
    _d = setup_inputs()
    print(jax.jit(kernel)(*tuple(_d.values())))

</pallas_src>

<mosaic_0001>
#map = affine_map<(d0, d1) -> (0)>
#map1 = affine_map<(d0, d1) -> (0, 0, 0)>
module attributes {stable_mosaic.version = 14 : i64} {
  func.func @body(%arg0: i32, %arg1: i32, %arg2: memref<98304xf32, #tpu.memory_space<hbm>>, %arg3: memref<98304xf32, #tpu.memory_space<hbm>>, %arg4: memref<32768xi32, #tpu.memory_space<hbm>>, %arg5: memref<16xf32, #tpu.memory_space<hbm>>, %arg6: memref<2x16x16xf32, #tpu.memory_space<hbm>>, %arg7: memref<16x4x16xf32, #tpu.memory_space<hbm>>, %arg8: memref<2048xf32, #tpu.memory_space<vmem>>, %arg9: memref<2048xf32, #tpu.memory_space<vmem>>, %arg10: memref<2048xf32, #tpu.memory_space<vmem>>, %arg11: memref<2048xf32, #tpu.memory_space<vmem>>, %arg12: memref<2048xf32, #tpu.memory_space<vmem>>, %arg13: memref<2048xf32, #tpu.memory_space<vmem>>, %arg14: memref<2048xi32, #tpu.memory_space<vmem>>, %arg15: memref<2x16x16xf32, #tpu.memory_space<vmem>>, %arg16: memref<2x16x16xf32, #tpu.memory_space<vmem>>, %arg17: memref<4x16xf32, #tpu.memory_space<vmem>>, %arg18: memref<4x16x16xf32, #tpu.memory_space<vmem>>, %arg19: memref<4x16xf32, #tpu.memory_space<vmem>>, %arg20: memref<16x4x16xf32, #tpu.memory_space<vmem>>, %arg21: memref<16xf32, #tpu.memory_space<vmem>>, %arg22: memref<!tpu.dma_semaphore, #tpu.memory_space<semaphore_mem>>, %arg23: memref<!tpu.dma_semaphore, #tpu.memory_space<semaphore_mem>>, %arg24: memref<!tpu.dma_semaphore, #tpu.memory_space<semaphore_mem>>, %arg25: memref<!tpu.dma_semaphore, #tpu.memory_space<semaphore_mem>>, %arg26: memref<!tpu.dma_semaphore, #tpu.memory_space<semaphore_mem>>, %arg27: memref<!tpu.dma_semaphore, #tpu.memory_space<semaphore_mem>>, %arg28: memref<!tpu.dma_semaphore, #tpu.memory_space<semaphore_mem>>) attributes {dimension_semantics = [#tpu.dimension_semantics<core_parallel>, #tpu.dimension_semantics<subcore_parallel>], iteration_bounds = array<i64: 2, 16>, scalar_prefetch = 0 : i64, scratch_operands = 21 : i64, tpu.core_type = #tpu.core_type<sc_vector_subcore>, window_params = [{transform_indices = #map}, {transform_indices = #map}, {transform_indices = #map}, {transform_indices = #map}, {transform_indices = #map1}, {transform_indices = #map1}]} {
    %eq3A = arith.constant 0 : i32
    %eq3A_0 = arith.cmpi eq, %arg0, %eq3A : i32
    %convert_element_type3A = arith.extui %eq3A_0 : i1 to i32
    %cond3A = arith.constant 0 : i32
    %cond3A_1 = arith.constant 0 : i32
    %cond3A_2 = arith.cmpi ne, %convert_element_type3A, %cond3A_1 : i32
    %cond3A_3 = scf.if %cond3A_2 -> (i32) {
      %mul3A = arith.constant 2048 : i32
      %mul3A_4 = arith.muli %arg1, %mul3A : i32
      %add3A = arith.constant 65536 : i32
      %add3A_5 = arith.addi %add3A, %mul3A_4 : i32
      %dma_start3A = tpu.memref_slice %arg3[%add3A_5] : memref<98304xf32, #tpu.memory_space<hbm>> -> memref<2048xf32, #tpu.memory_space<hbm>>
      %dma_start3A_6 = tpu.memref_slice %arg3[%add3A_5] : memref<98304xf32, #tpu.memory_space<hbm>> -> memref<2048xf32, #tpu.memory_space<hbm>>
      tpu.enqueue_dma source(%dma_start3A_6 : memref<2048xf32, #tpu.memory_space<hbm>>) target(%arg13 : memref<2048xf32, #tpu.memory_space<vmem>>) target_semaphore(%arg22 : memref<!tpu.dma_semaphore, #tpu.memory_space<semaphore_mem>>)
      %dma_start3A_7 = tpu.memref_slice %arg4[%mul3A_4] : memref<32768xi32, #tpu.memory_space<hbm>> -> memref<2048xi32, #tpu.memory_space<hbm>>
      %dma_start3A_8 = tpu.memref_slice %arg4[%mul3A_4] : memref<32768xi32, #tpu.memory_space<hbm>> -> memref<2048xi32, #tpu.memory_space<hbm>>
      tpu.enqueue_dma source(%dma_start3A_8 : memref<2048xi32, #tpu.memory_space<hbm>>) target(%arg14 : memref<2048xi32, #tpu.memory_space<vmem>>) target_semaphore(%arg23 : memref<!tpu.dma_semaphore, #tpu.memory_space<semaphore_mem>>)
      %dma_start3A_9 = tpu.memref_slice %arg2[%mul3A_4] : memref<98304xf32, #tpu.memory_space<hbm>> -> memref<2048xf32, #tpu.memory_space<hbm>>
      %dma_start3A_10 = tpu.memref_slice %arg2[%mul3A_4] : memref<98304xf32, #tpu.memory_space<hbm>> -> memref<2048xf32, #tpu.memory_space<hbm>>
      tpu.enqueue_dma source(%dma_start3A_10 : memref<2048xf32, #tpu.memory_space<hbm>>) target(%arg8 : memref<2048xf32, #tpu.memory_space<vmem>>) target_semaphore(%arg24 : memref<!tpu.dma_semaphore, #tpu.memory_space<semaphore_mem>>)
      %add3A_11 = arith.constant 32768 : i32
      %add3A_12 = arith.addi %add3A_11, %mul3A_4 : i32
      %dma_start3A_13 = tpu.memref_slice %arg2[%add3A_12] : memref<98304xf32, #tpu.memory_space<hbm>> -> memref<2048xf32, #tpu.memory_space<hbm>>
      %dma_start3A_14 = tpu.memref_slice %arg2[%add3A_12] : memref<98304xf32, #tpu.memory_space<hbm>> -> memref<2048xf32, #tpu.memory_space<hbm>>
      tpu.enqueue_dma source(%dma_start3A_14 : memref<2048xf32, #tpu.memory_space<hbm>>) target(%arg9 : memref<2048xf32, #tpu.memory_space<vmem>>) target_semaphore(%arg25 : memref<!tpu.dma_semaphore, #tpu.memory_space<semaphore_mem>>)
      %add3A_15 = arith.constant 65536 : i32
      %add3A_16 = arith.addi %add3A_15, %mul3A_4 : i32
      %dma_start3A_17 = tpu.memref_slice %arg2[%add3A_16] : memref<98304xf32, #tpu.memory_space<hbm>> -> memref<2048xf32, #tpu.memory_space<hbm>>
      %dma_start3A_18 = tpu.memref_slice %arg2[%add3A_16] : memref<98304xf32, #tpu.memory_space<hbm>> -> memref<2048xf32, #tpu.memory_space<hbm>>
      tpu.enqueue_dma source(%dma_start3A_18 : memref<2048xf32, #tpu.memory_space<hbm>>) target(%arg10 : memref<2048xf32, #tpu.memory_space<vmem>>) target_semaphore(%arg26 : memref<!tpu.dma_semaphore, #tpu.memory_space<semaphore_mem>>)
      %dma_start3A_19 = tpu.memref_slice %arg3[%mul3A_4] : memref<98304xf32, #tpu.memory_space<hbm>> -> memref<2048xf32, #tpu.memory_space<hbm>>
      %dma_start3A_20 = tpu.memref_slice %arg3[%mul3A_4] : memref<98304xf32, #tpu.memory_space<hbm>> -> memref<2048xf32, #tpu.memory_space<hbm>>
      tpu.enqueue_dma source(%dma_start3A_20 : memref<2048xf32, #tpu.memory_space<hbm>>) target(%arg11 : memref<2048xf32, #tpu.memory_space<vmem>>) target_semaphore(%arg27 : memref<!tpu.dma_semaphore, #tpu.memory_space<semaphore_mem>>)
      %add3A_21 = arith.constant 32768 : i32
      %add3A_22 = arith.addi %add3A_21, %mul3A_4 : i32
      %dma_start3A_23 = tpu.memref_slice %arg3[%add3A_22] : memref<98304xf32, #tpu.memory_space<hbm>> -> memref<2048xf32, #tpu.memory_space<hbm>>
      %dma_start3A_24 = tpu.memref_slice %arg3[%add3A_22] : memref<98304xf32, #tpu.memory_space<hbm>> -> memref<2048xf32, #tpu.memory_space<hbm>>
      tpu.enqueue_dma source(%dma_start3A_24 : memref<2048xf32, #tpu.memory_space<hbm>>) target(%arg12 : memref<2048xf32, #tpu.memory_space<vmem>>) target_semaphore(%arg28 : memref<!tpu.dma_semaphore, #tpu.memory_space<semaphore_mem>>)
      %iota3A = tpu.iota {dimensions = array<i32: 0>} : vector<16xi32>
      %scan3A = arith.constant 0 : i32
      %scan3A_25 = arith.constant 0 : i32
      %scan3A_26 = arith.constant 16 : i32
      %scan3A_27 = arith.addi %scan3A_25, %scan3A_26 : i32
      %scan3A_28 = arith.constant 1 : i32
      %scan3A_29 = scf.for %scan3A_232 = %scan3A_25 to %scan3A_27 step %scan3A_28 iter_args(%scan3A_233 = %scan3A) -> (i32)  : i32 {
        %broadcast_in_dim3A_234 = arith.constant 0x7F800000 : f32
        %broadcast_in_dim3A_235 = vector.broadcast %broadcast_in_dim3A_234 : f32 to vector<16xf32>
        %swap3A_236 = arith.constant 0 : i32
        %swap3A_237 = arith.index_cast %swap3A_236 : i32 to index
        %swap3A_238 = arith.index_cast %scan3A_232 : i32 to index
        %swap3A_239 = arith.constant 0 : index
        %swap3A_240 = tpu.vector_load %arg15[%swap3A_237, %swap3A_238, %swap3A_239] {strides = array<i32>} : memref<2x16x16xf32, #tpu.memory_space<vmem>>, vector<16xf32>,
        tpu.vector_store %arg15[%swap3A_237, %swap3A_238, %swap3A_239], %broadcast_in_dim3A_235 {strides = array<i32>} : memref<2x16x16xf32, #tpu.memory_space<vmem>>, vector<16xf32>,
        %broadcast_in_dim3A_241 = arith.constant 0xFF800000 : f32
        %broadcast_in_dim3A_242 = vector.broadcast %broadcast_in_dim3A_241 : f32 to vector<16xf32>
        %swap3A_243 = arith.constant 1 : i32
        %swap3A_244 = arith.index_cast %swap3A_243 : i32 to index
        %swap3A_245 = arith.index_cast %scan3A_232 : i32 to index
        %swap3A_246 = arith.constant 0 : index
        %swap3A_247 = tpu.vector_load %arg15[%swap3A_244, %swap3A_245, %swap3A_246] {strides = array<i32>} : memref<2x16x16xf32, #tpu.memory_space<vmem>>, vector<16xf32>,
        tpu.vector_store %arg15[%swap3A_244, %swap3A_245, %swap3A_246], %broadcast_in_dim3A_242 {strides = array<i32>} : memref<2x16x16xf32, #tpu.memory_space<vmem>>, vector<16xf32>,
        %scan3A_248 = arith.constant 0 : i32
        scf.yield %scan3A_248 : i32
      }
      %scan3A_30 = arith.constant 16 : i32
      %dma_wait3A = tpu.memref_slice %arg3[%add3A_5] : memref<98304xf32, #tpu.memory_space<hbm>> -> memref<2048xf32, #tpu.memory_space<hbm>>
      %dma_wait3A_31 = tpu.memref_slice %arg3[%add3A_5] : memref<98304xf32, #tpu.memory_space<hbm>> -> memref<2048xf32, #tpu.memory_space<hbm>>
      tpu.wait_dma2 semaphore(%arg22 : memref<!tpu.dma_semaphore, #tpu.memory_space<semaphore_mem>>) src(%dma_wait3A_31 : memref<2048xf32, #tpu.memory_space<hbm>>) dst(%arg13 : memref<2048xf32, #tpu.memory_space<vmem>>)
      %dma_wait3A_32 = tpu.memref_slice %arg4[%mul3A_4] : memref<32768xi32, #tpu.memory_space<hbm>> -> memref<2048xi32, #tpu.memory_space<hbm>>
      %dma_wait3A_33 = tpu.memref_slice %arg4[%mul3A_4] : memref<32768xi32, #tpu.memory_space<hbm>> -> memref<2048xi32, #tpu.memory_space<hbm>>
      tpu.wait_dma2 semaphore(%arg23 : memref<!tpu.dma_semaphore, #tpu.memory_space<semaphore_mem>>) src(%dma_wait3A_33 : memref<2048xi32, #tpu.memory_space<hbm>>) dst(%arg14 : memref<2048xi32, #tpu.memory_space<vmem>>)
      %scan3A_34 = arith.constant 0 : i32
      %scan3A_35 = arith.constant 0 : i32
      %scan3A_36 = arith.constant 128 : i32
      %scan3A_37 = arith.addi %scan3A_35, %scan3A_36 : i32
      %scan3A_38 = arith.constant 1 : i32
      %scan3A_39 = scf.for %scan3A_232 = %scan3A_35 to %scan3A_37 step %scan3A_38 iter_args(%scan3A_233 = %scan3A_34) -> (i32)  : i32 {
        %mul3A_234 = arith.constant 16 : i32
        %mul3A_235 = arith.muli %scan3A_232, %mul3A_234 : i32
        %get3A = arith.index_cast %mul3A_235 : i32 to index
        %get3A_236 = tpu.vector_load %arg13[%get3A] {strides = array<i32>} : memref<2048xf32, #tpu.memory_space<vmem>>, vector<16xf32>,
        %get3A_237 = arith.index_cast %mul3A_235 : i32 to index
        %get3A_238 = tpu.vector_load %arg14[%get3A_237] {strides = array<i32>} : memref<2048xi32, #tpu.memory_space<vmem>>, vector<16xi32>,
        %gather3A = arith.constant 0 : i32
        %gather3A_239 = arith.constant 0 : i32
        %gather3A_240 = arith.constant 0 : i32
        %gather3A_241 = tpu.memref_slice %arg15[%gather3A, %gather3A_239, %gather3A_240] : memref<2x16x16xf32, #tpu.memory_space<vmem>> -> memref<1x16x16xf32, #tpu.memory_space<vmem>>
        %gather3A_242 = tpu.memref_squeeze %gather3A_241 : memref<1x16x16xf32, #tpu.memory_space<vmem>> -> memref<16x16xf32, #tpu.memory_space<vmem>>
        %gather3A_243 = tpu.vector_load_idx %gather3A_242[%get3A_238, %iota3A] : memref<16x16xf32, #tpu.memory_space<vmem>>[vector<16xi32>, vector<16xi32>], vector<16xf32>,
        %min3A = arith.minimumf %gather3A_243, %get3A_236 : vector<16xf32>
        %scatter3A = arith.constant 0 : i32
        %scatter3A_244 = arith.constant 0 : i32
        %scatter3A_245 = arith.constant 0 : i32
        %scatter3A_246 = tpu.memref_slice %arg15[%scatter3A, %scatter3A_244, %scatter3A_245] : memref<2x16x16xf32, #tpu.memory_space<vmem>> -> memref<1x16x16xf32, #tpu.memory_space<vmem>>
        %scatter3A_247 = tpu.memref_squeeze %scatter3A_246 : memref<1x16x16xf32, #tpu.memory_space<vmem>> -> memref<16x16xf32, #tpu.memory_space<vmem>>
        tpu.vector_store_idx %scatter3A_247[%get3A_238, %iota3A], %min3A : memref<16x16xf32, #tpu.memory_space<vmem>>[vector<16xi32>, vector<16xi32>], vector<16xf32>,
        %gather3A_248 = arith.constant 1 : i32
        %gather3A_249 = arith.constant 0 : i32
        %gather3A_250 = arith.constant 0 : i32
        %gather3A_251 = tpu.memref_slice %arg15[%gather3A_248, %gather3A_249, %gather3A_250] : memref<2x16x16xf32, #tpu.memory_space<vmem>> -> memref<1x16x16xf32, #tpu.memory_space<vmem>>
        %gather3A_252 = tpu.memref_squeeze %gather3A_251 : memref<1x16x16xf32, #tpu.memory_space<vmem>> -> memref<16x16xf32, #tpu.memory_space<vmem>>
        %gather3A_253 = tpu.vector_load_idx %gather3A_252[%get3A_238, %iota3A] : memref<16x16xf32, #tpu.memory_space<vmem>>[vector<16xi32>, vector<16xi32>], vector<16xf32>,
        %max3A = arith.maximumf %gather3A_253, %get3A_236 : vector<16xf32>
        %scatter3A_254 = arith.constant 1 : i32
        %scatter3A_255 = arith.constant 0 : i32
        %scatter3A_256 = arith.constant 0 : i32
        %scatter3A_257 = tpu.memref_slice %arg15[%scatter3A_254, %scatter3A_255, %scatter3A_256] : memref<2x16x16xf32, #tpu.memory_space<vmem>> -> memref<1x16x16xf32, #tpu.memory_space<vmem>>
        %scatter3A_258 = tpu.memref_squeeze %scatter3A_257 : memref<1x16x16xf32, #tpu.memory_space<vmem>> -> memref<16x16xf32, #tpu.memory_space<vmem>>
        tpu.vector_store_idx %scatter3A_258[%get3A_238, %iota3A], %max3A : memref<16x16xf32, #tpu.memory_space<vmem>>[vector<16xi32>, vector<16xi32>], vector<16xf32>,
        %scan3A_259 = arith.constant 0 : i32
        scf.yield %scan3A_259 : i32
      }
      %scan3A_40 = arith.constant 128 : i32
      %broadcast_in_dim3A = arith.constant 0x7F800000 : f32
      %broadcast_in_dim3A_41 = vector.broadcast %broadcast_in_dim3A : f32 to vector<16xf32>
      %broadcast_in_dim3A_42 = arith.constant 0xFF800000 : f32
      %broadcast_in_dim3A_43 = vector.broadcast %broadcast_in_dim3A_42 : f32 to vector<16xf32>
      %scan3A_44 = arith.constant 0 : i32
      %scan3A_45 = arith.constant 16 : i32
      %scan3A_46 = arith.addi %scan3A_44, %scan3A_45 : i32
      %scan3A_47 = arith.constant 1 : i32
      %scan3A_48:2 = scf.for %scan3A_232 = %scan3A_44 to %scan3A_46 step %scan3A_47 iter_args(%scan3A_233 = %broadcast_in_dim3A_41, %scan3A_234 = %broadcast_in_dim3A_43) -> (vector<16xf32>, vector<16xf32>)  : i32 {
        %eq3A_235 = vector.broadcast %scan3A_232 : i32 to vector<16xi32>
        %eq3A_236 = arith.cmpi eq, %iota3A, %eq3A_235 : vector<16xi32>
        %get3A = arith.constant 0 : i32
        %get3A_237 = arith.index_cast %get3A : i32 to index
        %get3A_238 = arith.index_cast %scan3A_232 : i32 to index
        %get3A_239 = arith.constant 0 : index
        %get3A_240 = tpu.vector_load %arg15[%get3A_237, %get3A_238, %get3A_239] {strides = array<i32>} : memref<2x16x16xf32, #tpu.memory_space<vmem>>, vector<16xf32>,
        %reduce_min3A = arith.constant true
        %reduce_min3A_241 = vector.broadcast %reduce_min3A : i1 to vector<16xi1>
        %reduce_min3A_242 = tpu.scan <min>, %get3A_240 masked %reduce_min3A_241 : vector<16xf32>, vector<16xi1> -> vector<16xf32>
        %reduce_min3A_243 = vector.extract %reduce_min3A_242[15] : f32 from vector<16xf32>
        %broadcast_in_dim3A_244 = vector.broadcast %reduce_min3A_243 : f32 to vector<16xf32>
        %select_n3A = arith.select %eq3A_236, %broadcast_in_dim3A_244, %scan3A_233 : vector<16xi1>, vector<16xf32>
        %eq3A_245 = vector.broadcast %scan3A_232 : i32 to vector<16xi32>
        %eq3A_246 = arith.cmpi eq, %iota3A, %eq3A_245 : vector<16xi32>
        %get3A_247 = arith.constant 1 : i32
        %get3A_248 = arith.index_cast %get3A_247 : i32 to index
        %get3A_249 = arith.index_cast %scan3A_232 : i32 to index
        %get3A_250 = arith.constant 0 : index
        %get3A_251 = tpu.vector_load %arg15[%get3A_248, %get3A_249, %get3A_250] {strides = array<i32>} : memref<2x16x16xf32, #tpu.memory_space<vmem>>, vector<16xf32>,
        %reduce_max3A = arith.constant true
        %reduce_max3A_252 = vector.broadcast %reduce_max3A : i1 to vector<16xi1>
        %reduce_max3A_253 = tpu.scan <max>, %get3A_251 masked %reduce_max3A_252 : vector<16xf32>, vector<16xi1> -> vector<16xf32>
        %reduce_max3A_254 = vector.extract %reduce_max3A_253[15] : f32 from vector<16xf32>
        %broadcast_in_dim3A_255 = vector.broadcast %reduce_max3A_254 : f32 to vector<16xf32>
        %select_n3A_256 = arith.select %eq3A_246, %broadcast_in_dim3A_255, %scan3A_234 : vector<16xi1>, vector<16xf32>
        scf.yield %select_n3A, %select_n3A_256 : vector<16xf32>, vector<16xf32>
      }
      %scan3A_49 = arith.constant 16 : i32
      %swap3A = arith.constant 0 : i32
      %swap3A_50 = arith.index_cast %swap3A : i32 to index
      %swap3A_51 = arith.constant 0 : index
      %swap3A_52 = tpu.vector_load %arg17[%swap3A_50, %swap3A_51] {strides = array<i32>} : memref<4x16xf32, #tpu.memory_space<vmem>>, vector<16xf32>,
      tpu.vector_store %arg17[%swap3A_50, %swap3A_51], %scan3A_48#0 {strides = array<i32>} : memref<4x16xf32, #tpu.memory_space<vmem>>, vector<16xf32>,
      %swap3A_53 = arith.constant 1 : i32
      %swap3A_54 = arith.index_cast %swap3A_53 : i32 to index
      %swap3A_55 = arith.constant 0 : index
      %swap3A_56 = tpu.vector_load %arg17[%swap3A_54, %swap3A_55] {strides = array<i32>} : memref<4x16xf32, #tpu.memory_space<vmem>>, vector<16xf32>,
      tpu.vector_store %arg17[%swap3A_54, %swap3A_55], %scan3A_48#1 {strides = array<i32>} : memref<4x16xf32, #tpu.memory_space<vmem>>, vector<16xf32>,
      %dma_start3A_57 = arith.constant 0 : i32
      %dma_start3A_58 = arith.constant 0 : i32
      %dma_start3A_59 = arith.constant 0 : i32
      %dma_start3A_60 = tpu.memref_slice %arg17[%dma_start3A_57, %dma_start3A_59] : memref<4x16xf32, #tpu.memory_space<vmem>> -> memref<1x16xf32, #tpu.memory_space<vmem>>
      %dma_start3A_61 = tpu.memref_squeeze %dma_start3A_60 : memref<1x16xf32, #tpu.memory_space<vmem>> -> memref<16xf32, #tpu.memory_space<vmem>>
      %dma_start3A_62 = arith.constant 0 : i32
      %dma_start3A_63 = tpu.memref_slice %arg6[%dma_start3A_58, %arg1, %dma_start3A_62] : memref<2x16x16xf32, #tpu.memory_space<hbm>> -> memref<1x1x16xf32, #tpu.memory_space<hbm>>
      %dma_start3A_64 = tpu.memref_squeeze %dma_start3A_63 : memref<1x1x16xf32, #tpu.memory_space<hbm>> -> memref<16xf32, #tpu.memory_space<hbm>>
      %dma_start3A_65 = arith.constant 0 : i32
      %dma_start3A_66 = tpu.memref_slice %arg6[%dma_start3A_58, %arg1, %dma_start3A_65] : memref<2x16x16xf32, #tpu.memory_space<hbm>> -> memref<1x1x16xf32, #tpu.memory_space<hbm>>
      %dma_start3A_67 = tpu.memref_squeeze %dma_start3A_66 : memref<1x1x16xf32, #tpu.memory_space<hbm>> -> memref<16xf32, #tpu.memory_space<hbm>>
      %dma_start3A_68 = arith.constant 0 : i32
      %dma_start3A_69 = tpu.memref_slice %arg17[%dma_start3A_57, %dma_start3A_68] : memref<4x16xf32, #tpu.memory_space<vmem>> -> memref<1x16xf32, #tpu.memory_space<vmem>>
      %dma_start3A_70 = tpu.memref_squeeze %dma_start3A_69 : memref<1x16xf32, #tpu.memory_space<vmem>> -> memref<16xf32, #tpu.memory_space<vmem>>
      tpu.enqueue_dma source(%dma_start3A_70 : memref<16xf32, #tpu.memory_space<vmem>>) target(%dma_start3A_67 : memref<16xf32, #tpu.memory_space<hbm>>) target_semaphore(%arg22 : memref<!tpu.dma_semaphore, #tpu.memory_space<semaphore_mem>>)
      %dma_start3A_71 = arith.constant 1 : i32
      %dma_start3A_72 = arith.constant 1 : i32
      %dma_start3A_73 = arith.constant 0 : i32
      %dma_start3A_74 = tpu.memref_slice %arg17[%dma_start3A_71, %dma_start3A_73] : memref<4x16xf32, #tpu.memory_space<vmem>> -> memref<1x16xf32, #tpu.memory_space<vmem>>
      %dma_start3A_75 = tpu.memref_squeeze %dma_start3A_74 : memref<1x16xf32, #tpu.memory_space<vmem>> -> memref<16xf32, #tpu.memory_space<vmem>>
      %dma_start3A_76 = arith.constant 0 : i32
      %dma_start3A_77 = tpu.memref_slice %arg6[%dma_start3A_72, %arg1, %dma_start3A_76] : memref<2x16x16xf32, #tpu.memory_space<hbm>> -> memref<1x1x16xf32, #tpu.memory_space<hbm>>
      %dma_start3A_78 = tpu.memref_squeeze %dma_start3A_77 : memref<1x1x16xf32, #tpu.memory_space<hbm>> -> memref<16xf32, #tpu.memory_space<hbm>>
      %dma_start3A_79 = arith.constant 0 : i32
      %dma_start3A_80 = tpu.memref_slice %arg6[%dma_start3A_72, %arg1, %dma_start3A_79] : memref<2x16x16xf32, #tpu.memory_space<hbm>> -> memref<1x1x16xf32, #tpu.memory_space<hbm>>
      %dma_start3A_81 = tpu.memref_squeeze %dma_start3A_80 : memref<1x1x16xf32, #tpu.memory_space<hbm>> -> memref<16xf32, #tpu.memory_space<hbm>>
      %dma_start3A_82 = arith.constant 0 : i32
      %dma_start3A_83 = tpu.memref_slice %arg17[%dma_start3A_71, %dma_start3A_82] : memref<4x16xf32, #tpu.memory_space<vmem>> -> memref<1x16xf32, #tpu.memory_space<vmem>>
      %dma_start3A_84 = tpu.memref_squeeze %dma_start3A_83 : memref<1x16xf32, #tpu.memory_space<vmem>> -> memref<16xf32, #tpu.memory_space<vmem>>
      tpu.enqueue_dma source(%dma_start3A_84 : memref<16xf32, #tpu.memory_space<vmem>>) target(%dma_start3A_81 : memref<16xf32, #tpu.memory_space<hbm>>) target_semaphore(%arg23 : memref<!tpu.dma_semaphore, #tpu.memory_space<semaphore_mem>>)
      %dma_wait3A_85 = arith.constant 0 : i32
      %dma_wait3A_86 = arith.constant 0 : i32
      %dma_wait3A_87 = arith.constant 0 : i32
      %dma_wait3A_88 = tpu.memref_slice %arg17[%dma_wait3A_85, %dma_wait3A_87] : memref<4x16xf32, #tpu.memory_space<vmem>> -> memref<1x16xf32, #tpu.memory_space<vmem>>
      %dma_wait3A_89 = tpu.memref_squeeze %dma_wait3A_88 : memref<1x16xf32, #tpu.memory_space<vmem>> -> memref<16xf32, #tpu.memory_space<vmem>>
      %dma_wait3A_90 = arith.constant 0 : i32
      %dma_wait3A_91 = tpu.memref_slice %arg6[%dma_wait3A_86, %arg1, %dma_wait3A_90] : memref<2x16x16xf32, #tpu.memory_space<hbm>> -> memref<1x1x16xf32, #tpu.memory_space<hbm>>
      %dma_wait3A_92 = tpu.memref_squeeze %dma_wait3A_91 : memref<1x1x16xf32, #tpu.memory_space<hbm>> -> memref<16xf32, #tpu.memory_space<hbm>>
      %dma_wait3A_93 = arith.constant 0 : i32
      %dma_wait3A_94 = tpu.memref_slice %arg6[%dma_wait3A_86, %arg1, %dma_wait3A_93] : memref<2x16x16xf32, #tpu.memory_space<hbm>> -> memref<1x1x16xf32, #tpu.memory_space<hbm>>
      %dma_wait3A_95 = tpu.memref_squeeze %dma_wait3A_94 : memref<1x1x16xf32, #tpu.memory_space<hbm>> -> memref<16xf32, #tpu.memory_space<hbm>>
      %dma_wait3A_96 = arith.constant 0 : i32
      %dma_wait3A_97 = tpu.memref_slice %arg17[%dma_wait3A_85, %dma_wait3A_96] : memref<4x16xf32, #tpu.memory_space<vmem>> -> memref<1x16xf32, #tpu.memory_space<vmem>>
      %dma_wait3A_98 = tpu.memref_squeeze %dma_wait3A_97 : memref<1x16xf32, #tpu.memory_space<vmem>> -> memref<16xf32, #tpu.memory_space<vmem>>
      tpu.wait_dma2 semaphore(%arg22 : memref<!tpu.dma_semaphore, #tpu.memory_space<semaphore_mem>>) src(%dma_wait3A_98 : memref<16xf32, #tpu.memory_space<vmem>>) dst(%dma_wait3A_95 : memref<16xf32, #tpu.memory_space<hbm>>)
      %dma_wait3A_99 = arith.constant 1 : i32
      %dma_wait3A_100 = arith.constant 1 : i32
      %dma_wait3A_101 = arith.constant 0 : i32
      %dma_wait3A_102 = tpu.memref_slice %arg17[%dma_wait3A_99, %dma_wait3A_101] : memref<4x16xf32, #tpu.memory_space<vmem>> -> memref<1x16xf32, #tpu.memory_space<vmem>>
      %dma_wait3A_103 = tpu.memref_squeeze %dma_wait3A_102 : memref<1x16xf32, #tpu.memory_space<vmem>> -> memref<16xf32, #tpu.memory_space<vmem>>
      %dma_wait3A_104 = arith.constant 0 : i32
      %dma_wait3A_105 = tpu.memref_slice %arg6[%dma_wait3A_100, %arg1, %dma_wait3A_104] : memref<2x16x16xf32, #tpu.memory_space<hbm>> -> memref<1x1x16xf32, #tpu.memory_space<hbm>>
      %dma_wait3A_106 = tpu.memref_squeeze %dma_wait3A_105 : memref<1x1x16xf32, #tpu.memory_space<hbm>> -> memref<16xf32, #tpu.memory_space<hbm>>
      %dma_wait3A_107 = arith.constant 0 : i32
      %dma_wait3A_108 = tpu.memref_slice %arg6[%dma_wait3A_100, %arg1, %dma_wait3A_107] : memref<2x16x16xf32, #tpu.memory_space<hbm>> -> memref<1x1x16xf32, #tpu.memory_space<hbm>>
      %dma_wait3A_109 = tpu.memref_squeeze %dma_wait3A_108 : memref<1x1x16xf32, #tpu.memory_space<hbm>> -> memref<16xf32, #tpu.memory_space<hbm>>
      %dma_wait3A_110 = arith.constant 0 : i32
      %dma_wait3A_111 = tpu.memref_slice %arg17[%dma_wait3A_99, %dma_wait3A_110] : memref<4x16xf32, #tpu.memory_space<vmem>> -> memref<1x16xf32, #tpu.memory_space<vmem>>
      %dma_wait3A_112 = tpu.memref_squeeze %dma_wait3A_111 : memref<1x16xf32, #tpu.memory_space<vmem>> -> memref<16xf32, #tpu.memory_space<vmem>>
      tpu.wait_dma2 semaphore(%arg23 : memref<!tpu.dma_semaphore, #tpu.memory_space<semaphore_mem>>) src(%dma_wait3A_112 : memref<16xf32, #tpu.memory_space<vmem>>) dst(%dma_wait3A_109 : memref<16xf32, #tpu.memory_space<hbm>>)
      %barrier3A = arith.constant 0 : index
      tpu.barrier barrier_id(%barrier3A)
      "tpu.region"() ({
        %run_scoped3A = tpu.sem_alloc : memref<!tpu.dma_semaphore, #tpu.memory_space<semaphore_mem>>
        tpu.enqueue_dma source(%arg6 : memref<2x16x16xf32, #tpu.memory_space<hbm>>) target(%arg16 : memref<2x16x16xf32, #tpu.memory_space<vmem>>) target_semaphore(%run_scoped3A : memref<!tpu.dma_semaphore, #tpu.memory_space<semaphore_mem>>)
        tpu.wait_dma2 semaphore(%run_scoped3A : memref<!tpu.dma_semaphore, #tpu.memory_space<semaphore_mem>>) src(%arg6 : memref<2x16x16xf32, #tpu.memory_space<hbm>>) dst(%arg16 : memref<2x16x16xf32, #tpu.memory_space<vmem>>)
        tpu.yield
      }) : () -> ()
      %broadcast_in_dim3A_113 = arith.constant 0x7F800000 : f32
      %broadcast_in_dim3A_114 = vector.broadcast %broadcast_in_dim3A_113 : f32 to vector<16xf32>
      %broadcast_in_dim3A_115 = arith.constant 0xFF800000 : f32
      %broadcast_in_dim3A_116 = vector.broadcast %broadcast_in_dim3A_115 : f32 to vector<16xf32>
      %scan3A_117 = arith.constant 0 : i32
      %scan3A_118 = arith.constant 16 : i32
      %scan3A_119 = arith.addi %scan3A_117, %scan3A_118 : i32
      %scan3A_120 = arith.constant 1 : i32
      %scan3A_121:2 = scf.for %scan3A_232 = %scan3A_117 to %scan3A_119 step %scan3A_120 iter_args(%scan3A_233 = %broadcast_in_dim3A_114, %scan3A_234 = %broadcast_in_dim3A_116) -> (vector<16xf32>, vector<16xf32>)  : i32 {
        %get3A = arith.constant 0 : i32
        %get3A_235 = arith.index_cast %get3A : i32 to index
        %get3A_236 = arith.index_cast %scan3A_232 : i32 to index
        %get3A_237 = arith.constant 0 : index
        %get3A_238 = tpu.vector_load %arg16[%get3A_235, %get3A_236, %get3A_237] {strides = array<i32>} : memref<2x16x16xf32, #tpu.memory_space<vmem>>, vector<16xf32>,
        %min3A = arith.minimumf %scan3A_233, %get3A_238 : vector<16xf32>
        %get3A_239 = arith.constant 1 : i32
        %get3A_240 = arith.index_cast %get3A_239 : i32 to index
        %get3A_241 = arith.index_cast %scan3A_232 : i32 to index
        %get3A_242 = arith.constant 0 : index
        %get3A_243 = tpu.vector_load %arg16[%get3A_240, %get3A_241, %get3A_242] {strides = array<i32>} : memref<2x16x16xf32, #tpu.memory_space<vmem>>, vector<16xf32>,
        %max3A = arith.maximumf %scan3A_234, %get3A_243 : vector<16xf32>
        scf.yield %min3A, %max3A : vector<16xf32>, vector<16xf32>
      }
      %scan3A_122 = arith.constant 16 : i32
      %sub3A = arith.subf %scan3A_121#1, %scan3A_121#0 : vector<16xf32>
      %mul3A_123 = arith.constant 4.050000e-01 : f32
      %mul3A_124 = vector.broadcast %mul3A_123 : f32 to vector<16xf32>
      %mul3A_125 = arith.mulf %mul3A_124, %sub3A : vector<16xf32>
      %add3A_126 = arith.addf %scan3A_121#0, %mul3A_125 : vector<16xf32>
      %mul3A_127 = arith.constant 4.050000e-01 : f32
      %mul3A_128 = vector.broadcast %mul3A_127 : f32 to vector<16xf32>
      %mul3A_129 = arith.mulf %mul3A_128, %sub3A : vector<16xf32>
      %sub3A_130 = arith.subf %scan3A_121#1, %mul3A_129 : vector<16xf32>
      %add3A_131 = arith.addf %scan3A_121#0, %scan3A_121#1 : vector<16xf32>
      %div3A = arith.constant 2.000000e+00 : f32
      %div3A_132 = vector.broadcast %div3A : f32 to vector<16xf32>
      %div3A_133 = arith.divf %add3A_131, %div3A_132 : vector<16xf32>
      %sub3A_134 = arith.subf %sub3A_130, %add3A_126 : vector<16xf32>
      %mul3A_135 = arith.constant 1.900000e-01 : f32
      %mul3A_136 = vector.broadcast %mul3A_135 : f32 to vector<16xf32>
      %mul3A_137 = arith.mulf %mul3A_136, %sub3A_134 : vector<16xf32>
      %div3A_138 = arith.constant 2.000000e+00 : f32
      %div3A_139 = vector.broadcast %div3A_138 : f32 to vector<16xf32>
      %div3A_140 = arith.divf %mul3A_137, %div3A_139 : vector<16xf32>
      %swap3A_141 = arith.constant 0 : i32
      %swap3A_142 = arith.index_cast %swap3A_141 : i32 to index
      %swap3A_143 = arith.constant 0 : index
      %swap3A_144 = tpu.vector_load %arg17[%swap3A_142, %swap3A_143] {strides = array<i32>} : memref<4x16xf32, #tpu.memory_space<vmem>>, vector<16xf32>,
      tpu.vector_store %arg17[%swap3A_142, %swap3A_143], %add3A_126 {strides = array<i32>} : memref<4x16xf32, #tpu.memory_space<vmem>>, vector<16xf32>,
      %swap3A_145 = arith.constant 1 : i32
      %swap3A_146 = arith.index_cast %swap3A_145 : i32 to index
      %swap3A_147 = arith.constant 0 : index
      %swap3A_148 = tpu.vector_load %arg17[%swap3A_146, %swap3A_147] {strides = array<i32>} : memref<4x16xf32, #tpu.memory_space<vmem>>, vector<16xf32>,
      tpu.vector_store %arg17[%swap3A_146, %swap3A_147], %sub3A_130 {strides = array<i32>} : memref<4x16xf32, #tpu.memory_space<vmem>>, vector<16xf32>,
      %sub3A_149 = arith.subf %div3A_133, %div3A_140 : vector<16xf32>
      %swap3A_150 = arith.constant 2 : i32
      %swap3A_151 = arith.index_cast %swap3A_150 : i32 to index
      %swap3A_152 = arith.constant 0 : index
      %swap3A_153 = tpu.vector_load %arg17[%swap3A_151, %swap3A_152] {strides = array<i32>} : memref<4x16xf32, #tpu.memory_space<vmem>>, vector<16xf32>,
      tpu.vector_store %arg17[%swap3A_151, %swap3A_152], %sub3A_149 {strides = array<i32>} : memref<4x16xf32, #tpu.memory_space<vmem>>, vector<16xf32>,
      %add3A_154 = arith.addf %div3A_133, %div3A_140 : vector<16xf32>
      %swap3A_155 = arith.constant 3 : i32
      %swap3A_156 = arith.index_cast %swap3A_155 : i32 to index
      %swap3A_157 = arith.constant 0 : index
      %swap3A_158 = tpu.vector_load %arg17[%swap3A_156, %swap3A_157] {strides = array<i32>} : memref<4x16xf32, #tpu.memory_space<vmem>>, vector<16xf32>,
      tpu.vector_store %arg17[%swap3A_156, %swap3A_157], %add3A_154 {strides = array<i32>} : memref<4x16xf32, #tpu.memory_space<vmem>>, vector<16xf32>,
      %scan3A_159 = arith.constant 0 : i32
      %scan3A_160 = arith.constant 0 : i32
      %scan3A_161 = arith.constant 16 : i32
      %scan3A_162 = arith.addi %scan3A_160, %scan3A_161 : i32
      %scan3A_163 = arith.constant 1 : i32
      %scan3A_164 = scf.for %scan3A_232 = %scan3A_160 to %scan3A_162 step %scan3A_163 iter_args(%scan3A_233 = %scan3A_159) -> (i32)  : i32 {
        %broadcast_in_dim3A_234 = arith.constant 0.000000e+00 : f32
        %broadcast_in_dim3A_235 = vector.broadcast %broadcast_in_dim3A_234 : f32 to vector<16xf32>
        %swap3A_236 = arith.constant 0 : i32
        %swap3A_237 = arith.index_cast %swap3A_236 : i32 to index
        %swap3A_238 = arith.index_cast %scan3A_232 : i32 to index
        %swap3A_239 = arith.constant 0 : index
        %swap3A_240 = tpu.vector_load %arg18[%swap3A_237, %swap3A_238, %swap3A_239] {strides = array<i32>} : memref<4x16x16xf32, #tpu.memory_space<vmem>>, vector<16xf32>,
        tpu.vector_store %arg18[%swap3A_237, %swap3A_238, %swap3A_239], %broadcast_in_dim3A_235 {strides = array<i32>} : memref<4x16x16xf32, #tpu.memory_space<vmem>>, vector<16xf32>,
        %broadcast_in_dim3A_241 = arith.constant 0.000000e+00 : f32
        %broadcast_in_dim3A_242 = vector.broadcast %broadcast_in_dim3A_241 : f32 to vector<16xf32>
        %swap3A_243 = arith.constant 1 : i32
        %swap3A_244 = arith.index_cast %swap3A_243 : i32 to index
        %swap3A_245 = arith.index_cast %scan3A_232 : i32 to index
        %swap3A_246 = arith.constant 0 : index
        %swap3A_247 = tpu.vector_load %arg18[%swap3A_244, %swap3A_245, %swap3A_246] {strides = array<i32>} : memref<4x16x16xf32, #tpu.memory_space<vmem>>, vector<16xf32>,
        tpu.vector_store %arg18[%swap3A_244, %swap3A_245, %swap3A_246], %broadcast_in_dim3A_242 {strides = array<i32>} : memref<4x16x16xf32, #tpu.memory_space<vmem>>, vector<16xf32>,
        %broadcast_in_dim3A_248 = arith.constant 0.000000e+00 : f32
        %broadcast_in_dim3A_249 = vector.broadcast %broadcast_in_dim3A_248 : f32 to vector<16xf32>
        %swap3A_250 = arith.constant 2 : i32
        %swap3A_251 = arith.index_cast %swap3A_250 : i32 to index
        %swap3A_252 = arith.index_cast %scan3A_232 : i32 to index
        %swap3A_253 = arith.constant 0 : index
        %swap3A_254 = tpu.vector_load %arg18[%swap3A_251, %swap3A_252, %swap3A_253] {strides = array<i32>} : memref<4x16x16xf32, #tpu.memory_space<vmem>>, vector<16xf32>,
        tpu.vector_store %arg18[%swap3A_251, %swap3A_252, %swap3A_253], %broadcast_in_dim3A_249 {strides = array<i32>} : memref<4x16x16xf32, #tpu.memory_space<vmem>>, vector<16xf32>,
        %broadcast_in_dim3A_255 = arith.constant 0.000000e+00 : f32
        %broadcast_in_dim3A_256 = vector.broadcast %broadcast_in_dim3A_255 : f32 to vector<16xf32>
        %swap3A_257 = arith.constant 3 : i32
        %swap3A_258 = arith.index_cast %swap3A_257 : i32 to index
        %swap3A_259 = arith.index_cast %scan3A_232 : i32 to index
        %swap3A_260 = arith.constant 0 : index
        %swap3A_261 = tpu.vector_load %arg18[%swap3A_258, %swap3A_259, %swap3A_260] {strides = array<i32>} : memref<4x16x16xf32, #tpu.memory_space<vmem>>, vector<16xf32>,
        tpu.vector_store %arg18[%swap3A_258, %swap3A_259, %swap3A_260], %broadcast_in_dim3A_256 {strides = array<i32>} : memref<4x16x16xf32, #tpu.memory_space<vmem>>, vector<16xf32>,
        %scan3A_262 = arith.constant 0 : i32
        scf.yield %scan3A_262 : i32
      }
      %scan3A_165 = arith.constant 16 : i32
      %dma_wait3A_166 = tpu.memref_slice %arg2[%mul3A_4] : memref<98304xf32, #tpu.memory_space<hbm>> -> memref<2048xf32, #tpu.memory_space<hbm>>
      %dma_wait3A_167 = tpu.memref_slice %arg2[%mul3A_4] : memref<98304xf32, #tpu.memory_space<hbm>> -> memref<2048xf32, #tpu.memory_space<hbm>>
      tpu.wait_dma2 semaphore(%arg24 : memref<!tpu.dma_semaphore, #tpu.memory_space<semaphore_mem>>) src(%dma_wait3A_167 : memref<2048xf32, #tpu.memory_space<hbm>>) dst(%arg8 : memref<2048xf32, #tpu.memory_space<vmem>>)
      %dma_wait3A_168 = tpu.memref_slice %arg2[%add3A_12] : memref<98304xf32, #tpu.memory_space<hbm>> -> memref<2048xf32, #tpu.memory_space<hbm>>
      %dma_wait3A_169 = tpu.memref_slice %arg2[%add3A_12] : memref<98304xf32, #tpu.memory_space<hbm>> -> memref<2048xf32, #tpu.memory_space<hbm>>
      tpu.wait_dma2 semaphore(%arg25 : memref<!tpu.dma_semaphore, #tpu.memory_space<semaphore_mem>>) src(%dma_wait3A_169 : memref<2048xf32, #tpu.memory_space<hbm>>) dst(%arg9 : memref<2048xf32, #tpu.memory_space<vmem>>)
      %dma_wait3A_170 = tpu.memref_slice %arg2[%add3A_16] : memref<98304xf32, #tpu.memory_space<hbm>> -> memref<2048xf32, #tpu.memory_space<hbm>>
      %dma_wait3A_171 = tpu.memref_slice %arg2[%add3A_16] : memref<98304xf32, #tpu.memory_space<hbm>> -> memref<2048xf32, #tpu.memory_space<hbm>>
      tpu.wait_dma2 semaphore(%arg26 : memref<!tpu.dma_semaphore, #tpu.memory_space<semaphore_mem>>) src(%dma_wait3A_171 : memref<2048xf32, #tpu.memory_space<hbm>>) dst(%arg10 : memref<2048xf32, #tpu.memory_space<vmem>>)
      %dma_wait3A_172 = tpu.memref_slice %arg3[%mul3A_4] : memref<98304xf32, #tpu.memory_space<hbm>> -> memref<2048xf32, #tpu.memory_space<hbm>>
      %dma_wait3A_173 = tpu.memref_slice %arg3[%mul3A_4] : memref<98304xf32, #tpu.memory_space<hbm>> -> memref<2048xf32, #tpu.memory_space<hbm>>
      tpu.wait_dma2 semaphore(%arg27 : memref<!tpu.dma_semaphore, #tpu.memory_space<semaphore_mem>>) src(%dma_wait3A_173 : memref<2048xf32, #tpu.memory_space<hbm>>) dst(%arg11 : memref<2048xf32, #tpu.memory_space<vmem>>)
      %dma_wait3A_174 = tpu.memref_slice %arg3[%add3A_22] : memref<98304xf32, #tpu.memory_space<hbm>> -> memref<2048xf32, #tpu.memory_space<hbm>>
      %dma_wait3A_175 = tpu.memref_slice %arg3[%add3A_22] : memref<98304xf32, #tpu.memory_space<hbm>> -> memref<2048xf32, #tpu.memory_space<hbm>>
      tpu.wait_dma2 semaphore(%arg28 : memref<!tpu.dma_semaphore, #tpu.memory_space<semaphore_mem>>) src(%dma_wait3A_175 : memref<2048xf32, #tpu.memory_space<hbm>>) dst(%arg12 : memref<2048xf32, #tpu.memory_space<vmem>>)
      %scan3A_176 = arith.constant 0 : i32
      %scan3A_177 = arith.constant 0 : i32
      %scan3A_178 = arith.constant 128 : i32
      %scan3A_179 = arith.addi %scan3A_177, %scan3A_178 : i32
      %scan3A_180 = arith.constant 1 : i32
      %scan3A_181 = scf.for %scan3A_232 = %scan3A_177 to %scan3A_179 step %scan3A_180 iter_args(%scan3A_233 = %scan3A_176) -> (i32)  : i32 {
        %mul3A_234 = arith.constant 16 : i32
        %mul3A_235 = arith.muli %scan3A_232, %mul3A_234 : i32
        %get3A = arith.index_cast %mul3A_235 : i32 to index
        %get3A_236 = tpu.vector_load %arg14[%get3A] {strides = array<i32>} : memref<2048xi32, #tpu.memory_space<vmem>>, vector<16xi32>,
        %get3A_237 = arith.index_cast %mul3A_235 : i32 to index
        %get3A_238 = tpu.vector_load %arg8[%get3A_237] {strides = array<i32>} : memref<2048xf32, #tpu.memory_space<vmem>>, vector<16xf32>,
        %get3A_239 = arith.index_cast %mul3A_235 : i32 to index
        %get3A_240 = tpu.vector_load %arg11[%get3A_239] {strides = array<i32>} : memref<2048xf32, #tpu.memory_space<vmem>>, vector<16xf32>,
        %sub3A_241 = arith.subf %get3A_238, %get3A_240 : vector<16xf32>
        %get3A_242 = arith.index_cast %mul3A_235 : i32 to index
        %get3A_243 = tpu.vector_load %arg9[%get3A_242] {strides = array<i32>} : memref<2048xf32, #tpu.memory_space<vmem>>, vector<16xf32>,
        %get3A_244 = arith.index_cast %mul3A_235 : i32 to index
        %get3A_245 = tpu.vector_load %arg12[%get3A_244] {strides = array<i32>} : memref<2048xf32, #tpu.memory_space<vmem>>, vector<16xf32>,
        %sub3A_246 = arith.subf %get3A_243, %get3A_245 : vector<16xf32>
        %get3A_247 = arith.index_cast %mul3A_235 : i32 to index
        %get3A_248 = tpu.vector_load %arg13[%get3A_247] {strides = array<i32>} : memref<2048xf32, #tpu.memory_space<vmem>>, vector<16xf32>,
        %get3A_249 = arith.index_cast %mul3A_235 : i32 to index
        %get3A_250 = tpu.vector_load %arg10[%get3A_249] {strides = array<i32>} : memref<2048xf32, #tpu.memory_space<vmem>>, vector<16xf32>,
        %sub3A_251 = arith.subf %get3A_250, %get3A_248 : vector<16xf32>
        %abs3A = math.absf %sub3A_241 : vector<16xf32>
        %lt3A = arith.constant 5.000000e-01 : f32
        %lt3A_252 = vector.broadcast %lt3A : f32 to vector<16xf32>
        %lt3A_253 = arith.cmpf olt, %abs3A, %lt3A_252 : vector<16xf32>
        %mul3A_254 = arith.constant 5.000000e-01 : f32
        %mul3A_255 = vector.broadcast %mul3A_254 : f32 to vector<16xf32>
        %mul3A_256 = arith.mulf %mul3A_255, %sub3A_241 : vector<16xf32>
        %mul3A_257 = arith.mulf %mul3A_256, %sub3A_241 : vector<16xf32>
        %sub3A_258 = arith.constant 2.500000e-01 : f32
        %sub3A_259 = vector.broadcast %sub3A_258 : f32 to vector<16xf32>
        %sub3A_260 = arith.subf %abs3A, %sub3A_259 : vector<16xf32>
        %mul3A_261 = arith.constant 5.000000e-01 : f32
        %mul3A_262 = vector.broadcast %mul3A_261 : f32 to vector<16xf32>
        %mul3A_263 = arith.mulf %mul3A_262, %sub3A_260 : vector<16xf32>
        %select_n3A = arith.select %lt3A_253, %mul3A_257, %mul3A_263 : vector<16xi1>, vector<16xf32>
        %abs3A_264 = math.absf %sub3A_246 : vector<16xf32>
        %lt3A_265 = arith.constant 5.000000e-01 : f32
        %lt3A_266 = vector.broadcast %lt3A_265 : f32 to vector<16xf32>
        %lt3A_267 = arith.cmpf olt, %abs3A_264, %lt3A_266 : vector<16xf32>
        %mul3A_268 = arith.constant 5.000000e-01 : f32
        %mul3A_269 = vector.broadcast %mul3A_268 : f32 to vector<16xf32>
        %mul3A_270 = arith.mulf %mul3A_269, %sub3A_246 : vector<16xf32>
        %mul3A_271 = arith.mulf %mul3A_270, %sub3A_246 : vector<16xf32>
        %sub3A_272 = arith.constant 2.500000e-01 : f32
        %sub3A_273 = vector.broadcast %sub3A_272 : f32 to vector<16xf32>
        %sub3A_274 = arith.subf %abs3A_264, %sub3A_273 : vector<16xf32>
        %mul3A_275 = arith.constant 5.000000e-01 : f32
        %mul3A_276 = vector.broadcast %mul3A_275 : f32 to vector<16xf32>
        %mul3A_277 = arith.mulf %mul3A_276, %sub3A_274 : vector<16xf32>
        %select_n3A_278 = arith.select %lt3A_267, %mul3A_271, %mul3A_277 : vector<16xi1>, vector<16xf32>
        %add3A_279 = arith.addf %select_n3A, %select_n3A_278 : vector<16xf32>
        %abs3A_280 = math.absf %sub3A_251 : vector<16xf32>
        %lt3A_281 = arith.constant 5.000000e-01 : f32
        %lt3A_282 = vector.broadcast %lt3A_281 : f32 to vector<16xf32>
        %lt3A_283 = arith.cmpf olt, %abs3A_280, %lt3A_282 : vector<16xf32>
        %mul3A_284 = arith.constant 5.000000e-01 : f32
        %mul3A_285 = vector.broadcast %mul3A_284 : f32 to vector<16xf32>
        %mul3A_286 = arith.mulf %mul3A_285, %sub3A_251 : vector<16xf32>
        %mul3A_287 = arith.mulf %mul3A_286, %sub3A_251 : vector<16xf32>
        %sub3A_288 = arith.constant 2.500000e-01 : f32
        %sub3A_289 = vector.broadcast %sub3A_288 : f32 to vector<16xf32>
        %sub3A_290 = arith.subf %abs3A_280, %sub3A_289 : vector<16xf32>
        %mul3A_291 = arith.constant 5.000000e-01 : f32
        %mul3A_292 = vector.broadcast %mul3A_291 : f32 to vector<16xf32>
        %mul3A_293 = arith.mulf %mul3A_292, %sub3A_290 : vector<16xf32>
        %select_n3A_294 = arith.select %lt3A_283, %mul3A_287, %mul3A_293 : vector<16xi1>, vector<16xf32>
        %add3A_295 = arith.addf %add3A_279, %select_n3A_294 : vector<16xf32>
        %mul3A_296 = arith.mulf %sub3A_241, %sub3A_241 : vector<16xf32>
        %mul3A_297 = arith.mulf %sub3A_246, %sub3A_246 : vector<16xf32>
        %add3A_298 = arith.addf %mul3A_296, %mul3A_297 : vector<16xf32>
        %mul3A_299 = arith.mulf %sub3A_251, %sub3A_251 : vector<16xf32>
        %add3A_300 = arith.addf %add3A_298, %mul3A_299 : vector<16xf32>
        %gather3A = arith.constant 0 : i32
        %gather3A_301 = arith.constant 0 : i32
        %gather3A_302 = tpu.memref_slice %arg17[%gather3A, %gather3A_301] : memref<4x16xf32, #tpu.memory_space<vmem>> -> memref<1x16xf32, #tpu.memory_space<vmem>>
        %gather3A_303 = tpu.memref_squeeze %gather3A_302 : memref<1x16xf32, #tpu.memory_space<vmem>> -> memref<16xf32, #tpu.memory_space<vmem>>
        %gather3A_304 = tpu.vector_load_idx %gather3A_303[%get3A_236] : memref<16xf32, #tpu.memory_space<vmem>>[vector<16xi32>], vector<16xf32>,
        %gather3A_305 = arith.constant 1 : i32
        %gather3A_306 = arith.constant 0 : i32
        %gather3A_307 = tpu.memref_slice %arg17[%gather3A_305, %gather3A_306] : memref<4x16xf32, #tpu.memory_space<vmem>> -> memref<1x16xf32, #tpu.memory_space<vmem>>
        %gather3A_308 = tpu.memref_squeeze %gather3A_307 : memref<1x16xf32, #tpu.memory_space<vmem>> -> memref<16xf32, #tpu.memory_space<vmem>>
        %gather3A_309 = tpu.vector_load_idx %gather3A_308[%get3A_236] : memref<16xf32, #tpu.memory_space<vmem>>[vector<16xi32>], vector<16xf32>,
        %gather3A_310 = arith.constant 2 : i32
        %gather3A_311 = arith.constant 0 : i32
        %gather3A_312 = tpu.memref_slice %arg17[%gather3A_310, %gather3A_311] : memref<4x16xf32, #tpu.memory_space<vmem>> -> memref<1x16xf32, #tpu.memory_space<vmem>>
        %gather3A_313 = tpu.memref_squeeze %gather3A_312 : memref<1x16xf32, #tpu.memory_space<vmem>> -> memref<16xf32, #tpu.memory_space<vmem>>
        %gather3A_314 = tpu.vector_load_idx %gather3A_313[%get3A_236] : memref<16xf32, #tpu.memory_space<vmem>>[vector<16xi32>], vector<16xf32>,
        %gather3A_315 = arith.constant 3 : i32
        %gather3A_316 = arith.constant 0 : i32
        %gather3A_317 = tpu.memref_slice %arg17[%gather3A_315, %gather3A_316] : memref<4x16xf32, #tpu.memory_space<vmem>> -> memref<1x16xf32, #tpu.memory_space<vmem>>
        %gather3A_318 = tpu.memref_squeeze %gather3A_317 : memref<1x16xf32, #tpu.memory_space<vmem>> -> memref<16xf32, #tpu.memory_space<vmem>>
        %gather3A_319 = tpu.vector_load_idx %gather3A_318[%get3A_236] : memref<16xf32, #tpu.memory_space<vmem>>[vector<16xi32>], vector<16xf32>,
        %ge3A = arith.cmpf oge, %get3A_248, %gather3A_304 : vector<16xf32>
        %le3A = arith.cmpf ole, %get3A_248, %gather3A_309 : vector<16xf32>
        %and3A = arith.andi %ge3A, %le3A : vector<16xi1>
        %ge3A_320 = arith.cmpf oge, %get3A_248, %gather3A_314 : vector<16xf32>
        %and3A_321 = arith.andi %and3A, %ge3A_320 : vector<16xi1>
        %le3A_322 = arith.cmpf ole, %get3A_248, %gather3A_319 : vector<16xf32>
        %and3A_323 = arith.andi %and3A_321, %le3A_322 : vector<16xi1>
        %broadcast_in_dim3A_324 = arith.constant 1.000000e+00 : f32
        %broadcast_in_dim3A_325 = vector.broadcast %broadcast_in_dim3A_324 : f32 to vector<16xf32>
        %broadcast_in_dim3A_326 = arith.constant 0.000000e+00 : f32
        %broadcast_in_dim3A_327 = vector.broadcast %broadcast_in_dim3A_326 : f32 to vector<16xf32>
        %select_n3A_328 = arith.select %and3A_323, %broadcast_in_dim3A_325, %broadcast_in_dim3A_327 : vector<16xi1>, vector<16xf32>
        %mul3A_329 = arith.mulf %select_n3A_328, %add3A_295 : vector<16xf32>
        %scatter3A = arith.constant 0 : i32
        %scatter3A_330 = arith.constant 0 : i32
        %scatter3A_331 = arith.constant 0 : i32
        %scatter3A_332 = tpu.memref_slice %arg18[%scatter3A, %scatter3A_330, %scatter3A_331] : memref<4x16x16xf32, #tpu.memory_space<vmem>> -> memref<1x16x16xf32, #tpu.memory_space<vmem>>
        %scatter3A_333 = tpu.memref_squeeze %scatter3A_332 : memref<1x16x16xf32, #tpu.memory_space<vmem>> -> memref<16x16xf32, #tpu.memory_space<vmem>>
        tpu.vector_store_idx %scatter3A_333[%get3A_236, %iota3A], %mul3A_329 {add = true} : memref<16x16xf32, #tpu.memory_space<vmem>>[vector<16xi32>, vector<16xi32>], vector<16xf32>,
        %scatter3A_334 = arith.constant 1 : i32
        %scatter3A_335 = arith.constant 0 : i32
        %scatter3A_336 = arith.constant 0 : i32
        %scatter3A_337 = tpu.memref_slice %arg18[%scatter3A_334, %scatter3A_335, %scatter3A_336] : memref<4x16x16xf32, #tpu.memory_space<vmem>> -> memref<1x16x16xf32, #tpu.memory_space<vmem>>
        %scatter3A_338 = tpu.memref_squeeze %scatter3A_337 : memref<1x16x16xf32, #tpu.memory_space<vmem>> -> memref<16x16xf32, #tpu.memory_space<vmem>>
        tpu.vector_store_idx %scatter3A_338[%get3A_236, %iota3A], %select_n3A_328 {add = true} : memref<16x16xf32, #tpu.memory_space<vmem>>[vector<16xi32>, vector<16xi32>], vector<16xf32>,
        %sub3A_339 = arith.constant 1.000000e+00 : f32
        %sub3A_340 = vector.broadcast %sub3A_339 : f32 to vector<16xf32>
        %sub3A_341 = arith.subf %sub3A_340, %select_n3A_328 : vector<16xf32>
        %mul3A_342 = arith.mulf %sub3A_341, %add3A_300 : vector<16xf32>
        %scatter3A_343 = arith.constant 2 : i32
        %scatter3A_344 = arith.constant 0 : i32
        %scatter3A_345 = arith.constant 0 : i32
        %scatter3A_346 = tpu.memref_slice %arg18[%scatter3A_343, %scatter3A_344, %scatter3A_345] : memref<4x16x16xf32, #tpu.memory_space<vmem>> -> memref<1x16x16xf32, #tpu.memory_space<vmem>>
        %scatter3A_347 = tpu.memref_squeeze %scatter3A_346 : memref<1x16x16xf32, #tpu.memory_space<vmem>> -> memref<16x16xf32, #tpu.memory_space<vmem>>
        tpu.vector_store_idx %scatter3A_347[%get3A_236, %iota3A], %mul3A_342 {add = true} : memref<16x16xf32, #tpu.memory_space<vmem>>[vector<16xi32>, vector<16xi32>], vector<16xf32>,
        %broadcast_in_dim3A_348 = arith.constant 1.000000e+00 : f32
        %broadcast_in_dim3A_349 = vector.broadcast %broadcast_in_dim3A_348 : f32 to vector<16xf32>
        %scatter3A_350 = arith.constant 3 : i32
        %scatter3A_351 = arith.constant 0 : i32
        %scatter3A_352 = arith.constant 0 : i32
        %scatter3A_353 = tpu.memref_slice %arg18[%scatter3A_350, %scatter3A_351, %scatter3A_352] : memref<4x16x16xf32, #tpu.memory_space<vmem>> -> memref<1x16x16xf32, #tpu.memory_space<vmem>>
        %scatter3A_354 = tpu.memref_squeeze %scatter3A_353 : memref<1x16x16xf32, #tpu.memory_space<vmem>> -> memref<16x16xf32, #tpu.memory_space<vmem>>
        tpu.vector_store_idx %scatter3A_354[%get3A_236, %iota3A], %broadcast_in_dim3A_349 {add = true} : memref<16x16xf32, #tpu.memory_space<vmem>>[vector<16xi32>, vector<16xi32>], vector<16xf32>,
        %scan3A_355 = arith.constant 0 : i32
        scf.yield %scan3A_355 : i32
      }
      %scan3A_182 = arith.constant 128 : i32
      %broadcast_in_dim3A_183 = arith.constant 0.000000e+00 : f32
      %broadcast_in_dim3A_184 = vector.broadcast %broadcast_in_dim3A_183 : f32 to vector<16xf32>
      %scan3A_185 = arith.constant 0 : i32
      %scan3A_186 = arith.constant 16 : i32
      %scan3A_187 = arith.addi %scan3A_185, %scan3A_186 : i32
      %scan3A_188 = arith.constant 1 : i32
      %scan3A_189:4 = scf.for %scan3A_232 = %scan3A_185 to %scan3A_187 step %scan3A_188 iter_args(%scan3A_233 = %broadcast_in_dim3A_184, %scan3A_234 = %broadcast_in_dim3A_184, %scan3A_235 = %broadcast_in_dim3A_184, %scan3A_236 = %broadcast_in_dim3A_184) -> (vector<16xf32>, vector<16xf32>, vector<16xf32>, vector<16xf32>)  : i32 {
        %eq3A_237 = vector.broadcast %scan3A_232 : i32 to vector<16xi32>
        %eq3A_238 = arith.cmpi eq, %iota3A, %eq3A_237 : vector<16xi32>
        %get3A = arith.constant 0 : i32
        %get3A_239 = arith.index_cast %get3A : i32 to index
        %get3A_240 = arith.index_cast %scan3A_232 : i32 to index
        %get3A_241 = arith.constant 0 : index
        %get3A_242 = tpu.vector_load %arg18[%get3A_239, %get3A_240, %get3A_241] {strides = array<i32>} : memref<4x16x16xf32, #tpu.memory_space<vmem>>, vector<16xf32>,
        %reduce_sum3A = arith.constant true
        %reduce_sum3A_243 = vector.broadcast %reduce_sum3A : i1 to vector<16xi1>
        %reduce_sum3A_244 = tpu.scan <sum>, %get3A_242 masked %reduce_sum3A_243 : vector<16xf32>, vector<16xi1> -> vector<16xf32>
        %reduce_sum3A_245 = vector.extract %reduce_sum3A_244[15] : f32 from vector<16xf32>
        %broadcast_in_dim3A_246 = vector.broadcast %reduce_sum3A_245 : f32 to vector<16xf32>
        %select_n3A = arith.select %eq3A_238, %broadcast_in_dim3A_246, %scan3A_233 : vector<16xi1>, vector<16xf32>
        %get3A_247 = arith.constant 1 : i32
        %get3A_248 = arith.index_cast %get3A_247 : i32 to index
        %get3A_249 = arith.index_cast %scan3A_232 : i32 to index
        %get3A_250 = arith.constant 0 : index
        %get3A_251 = tpu.vector_load %arg18[%get3A_248, %get3A_249, %get3A_250] {strides = array<i32>} : memref<4x16x16xf32, #tpu.memory_space<vmem>>, vector<16xf32>,
        %reduce_sum3A_252 = arith.constant true
        %reduce_sum3A_253 = vector.broadcast %reduce_sum3A_252 : i1 to vector<16xi1>
        %reduce_sum3A_254 = tpu.scan <sum>, %get3A_251 masked %reduce_sum3A_253 : vector<16xf32>, vector<16xi1> -> vector<16xf32>
        %reduce_sum3A_255 = vector.extract %reduce_sum3A_254[15] : f32 from vector<16xf32>
        %broadcast_in_dim3A_256 = vector.broadcast %reduce_sum3A_255 : f32 to vector<16xf32>
        %select_n3A_257 = arith.select %eq3A_238, %broadcast_in_dim3A_256, %scan3A_234 : vector<16xi1>, vector<16xf32>
        %get3A_258 = arith.constant 2 : i32
        %get3A_259 = arith.index_cast %get3A_258 : i32 to index
        %get3A_260 = arith.index_cast %scan3A_232 : i32 to index
        %get3A_261 = arith.constant 0 : index
        %get3A_262 = tpu.vector_load %arg18[%get3A_259, %get3A_260, %get3A_261] {strides = array<i32>} : memref<4x16x16xf32, #tpu.memory_space<vmem>>, vector<16xf32>,
        %reduce_sum3A_263 = arith.constant true
        %reduce_sum3A_264 = vector.broadcast %reduce_sum3A_263 : i1 to vector<16xi1>
        %reduce_sum3A_265 = tpu.scan <sum>, %get3A_262 masked %reduce_sum3A_264 : vector<16xf32>, vector<16xi1> -> vector<16xf32>
        %reduce_sum3A_266 = vector.extract %reduce_sum3A_265[15] : f32 from vector<16xf32>
        %broadcast_in_dim3A_267 = vector.broadcast %reduce_sum3A_266 : f32 to vector<16xf32>
        %select_n3A_268 = arith.select %eq3A_238, %broadcast_in_dim3A_267, %scan3A_235 : vector<16xi1>, vector<16xf32>
        %get3A_269 = arith.constant 3 : i32
        %get3A_270 = arith.index_cast %get3A_269 : i32 to index
        %get3A_271 = arith.index_cast %scan3A_232 : i32 to index
        %get3A_272 = arith.constant 0 : index
        %get3A_273 = tpu.vector_load %arg18[%get3A_270, %get3A_271, %get3A_272] {strides = array<i32>} : memref<4x16x16xf32, #tpu.memory_space<vmem>>, vector<16xf32>,
        %reduce_sum3A_274 = arith.constant true
        %reduce_sum3A_275 = vector.broadcast %reduce_sum3A_274 : i1 to vector<16xi1>
        %reduce_sum3A_276 = tpu.scan <sum>, %get3A_273 masked %reduce_sum3A_275 : vector<16xf32>, vector<16xi1> -> vector<16xf32>
        %reduce_sum3A_277 = vector.extract %reduce_sum3A_276[15] : f32 from vector<16xf32>
        %broadcast_in_dim3A_278 = vector.broadcast %reduce_sum3A_277 : f32 to vector<16xf32>
        %select_n3A_279 = arith.select %eq3A_238, %broadcast_in_dim3A_278, %scan3A_236 : vector<16xi1>, vector<16xf32>
        scf.yield %select_n3A, %select_n3A_257, %select_n3A_268, %select_n3A_279 : vector<16xf32>, vector<16xf32>, vector<16xf32>, vector<16xf32>
      }
      %scan3A_190 = arith.constant 16 : i32
      %swap3A_191 = arith.constant 0 : i32
      %swap3A_192 = arith.index_cast %swap3A_191 : i32 to index
      %swap3A_193 = arith.constant 0 : index
      %swap3A_194 = tpu.vector_load %arg19[%swap3A_192, %swap3A_193] {strides = array<i32>} : memref<4x16xf32, #tpu.memory_space<vmem>>, vector<16xf32>,
      tpu.vector_store %arg19[%swap3A_192, %swap3A_193], %scan3A_189#0 {strides = array<i32>} : memref<4x16xf32, #tpu.memory_space<vmem>>, vector<16xf32>,
      %swap3A_195 = arith.constant 1 : i32
      %swap3A_196 = arith.index_cast %swap3A_195 : i32 to index
      %swap3A_197 = arith.constant 0 : index
      %swap3A_198 = tpu.vector_load %arg19[%swap3A_196, %swap3A_197] {strides = array<i32>} : memref<4x16xf32, #tpu.memory_space<vmem>>, vector<16xf32>,
      tpu.vector_store %arg19[%swap3A_196, %swap3A_197], %scan3A_189#1 {strides = array<i32>} : memref<4x16xf32, #tpu.memory_space<vmem>>, vector<16xf32>,
      %swap3A_199 = arith.constant 2 : i32
      %swap3A_200 = arith.index_cast %swap3A_199 : i32 to index
      %swap3A_201 = arith.constant 0 : index
      %swap3A_202 = tpu.vector_load %arg19[%swap3A_200, %swap3A_201] {strides = array<i32>} : memref<4x16xf32, #tpu.memory_space<vmem>>, vector<16xf32>,
      tpu.vector_store %arg19[%swap3A_200, %swap3A_201], %scan3A_189#2 {strides = array<i32>} : memref<4x16xf32, #tpu.memory_space<vmem>>, vector<16xf32>,
      %swap3A_203 = arith.constant 3 : i32
      %swap3A_204 = arith.index_cast %swap3A_203 : i32 to index
      %swap3A_205 = arith.constant 0 : index
      %swap3A_206 = tpu.vector_load %arg19[%swap3A_204, %swap3A_205] {strides = array<i32>} : memref<4x16xf32, #tpu.memory_space<vmem>>, vector<16xf32>,
      tpu.vector_store %arg19[%swap3A_204, %swap3A_205], %scan3A_189#3 {strides = array<i32>} : memref<4x16xf32, #tpu.memory_space<vmem>>, vector<16xf32>,
      %dma_start3A_207 = arith.constant 0 : i32
      %dma_start3A_208 = arith.constant 0 : i32
      %dma_start3A_209 = tpu.memref_slice %arg7[%arg1, %dma_start3A_207, %dma_start3A_208] : memref<16x4x16xf32, #tpu.memory_space<hbm>> -> memref<1x4x16xf32, #tpu.memory_space<hbm>>
      %dma_start3A_210 = tpu.memref_squeeze %dma_start3A_209 : memref<1x4x16xf32, #tpu.memory_space<hbm>> -> memref<4x16xf32, #tpu.memory_space<hbm>>
      %dma_start3A_211 = arith.constant 0 : i32
      %dma_start3A_212 = arith.constant 0 : i32
      %dma_start3A_213 = tpu.memref_slice %arg7[%arg1, %dma_start3A_211, %dma_start3A_212] : memref<16x4x16xf32, #tpu.memory_space<hbm>> -> memref<1x4x16xf32, #tpu.memory_space<hbm>>
      %dma_start3A_214 = tpu.memref_squeeze %dma_start3A_213 : memref<1x4x16xf32, #tpu.memory_space<hbm>> -> memref<4x16xf32, #tpu.memory_space<hbm>>
      tpu.enqueue_dma source(%arg19 : memref<4x16xf32, #tpu.memory_space<vmem>>) target(%dma_start3A_214 : memref<4x16xf32, #tpu.memory_space<hbm>>) target_semaphore(%arg22 : memref<!tpu.dma_semaphore, #tpu.memory_space<semaphore_mem>>)
      %dma_wait3A_215 = arith.constant 0 : i32
      %dma_wait3A_216 = arith.constant 0 : i32
      %dma_wait3A_217 = tpu.memref_slice %arg7[%arg1, %dma_wait3A_215, %dma_wait3A_216] : memref<16x4x16xf32, #tpu.memory_space<hbm>> -> memref<1x4x16xf32, #tpu.memory_space<hbm>>
      %dma_wait3A_218 = tpu.memref_squeeze %dma_wait3A_217 : memref<1x4x16xf32, #tpu.memory_space<hbm>> -> memref<4x16xf32, #tpu.memory_space<hbm>>
      %dma_wait3A_219 = arith.constant 0 : i32
      %dma_wait3A_220 = arith.constant 0 : i32
      %dma_wait3A_221 = tpu.memref_slice %arg7[%arg1, %dma_wait3A_219, %dma_wait3A_220] : memref<16x4x16xf32, #tpu.memory_space<hbm>> -> memref<1x4x16xf32, #tpu.memory_space<hbm>>
      %dma_wait3A_222 = tpu.memref_squeeze %dma_wait3A_221 : memref<1x4x16xf32, #tpu.memory_space<hbm>> -> memref<4x16xf32, #tpu.memory_space<hbm>>
      tpu.wait_dma2 semaphore(%arg22 : memref<!tpu.dma_semaphore, #tpu.memory_space<semaphore_mem>>) src(%arg19 : memref<4x16xf32, #tpu.memory_space<vmem>>) dst(%dma_wait3A_222 : memref<4x16xf32, #tpu.memory_space<hbm>>)
      %barrier3A_223 = arith.constant 0 : index
      tpu.barrier barrier_id(%barrier3A_223)
      %eq3A_224 = arith.constant 0 : i32
      %eq3A_225 = arith.cmpi eq, %arg1, %eq3A_224 : i32
      %convert_element_type3A_226 = arith.extui %eq3A_225 : i1 to i32
      %cond3A_227 = arith.constant 0 : i32
      %cond3A_228 = arith.constant 0 : i32
      %cond3A_229 = arith.cmpi ne, %convert_element_type3A_226, %cond3A_228 : i32
      %cond3A_230 = scf.if %cond3A_229 -> (i32) {
        "tpu.region"() ({
          %run_scoped3A = tpu.sem_alloc : memref<!tpu.dma_semaphore, #tpu.memory_space<semaphore_mem>>
          tpu.enqueue_dma source(%arg7 : memref<16x4x16xf32, #tpu.memory_space<hbm>>) target(%arg20 : memref<16x4x16xf32, #tpu.memory_space<vmem>>) target_semaphore(%run_scoped3A : memref<!tpu.dma_semaphore, #tpu.memory_space<semaphore_mem>>)
          tpu.wait_dma2 semaphore(%run_scoped3A : memref<!tpu.dma_semaphore, #tpu.memory_space<semaphore_mem>>) src(%arg7 : memref<16x4x16xf32, #tpu.memory_space<hbm>>) dst(%arg20 : memref<16x4x16xf32, #tpu.memory_space<vmem>>)
          tpu.yield
        }) : () -> ()
        %broadcast_in_dim3A_232 = arith.constant 0.000000e+00 : f32
        %broadcast_in_dim3A_233 = vector.broadcast %broadcast_in_dim3A_232 : f32 to vector<16xf32>
        %scan3A_234 = arith.constant 0 : i32
        %scan3A_235 = arith.constant 16 : i32
        %scan3A_236 = arith.addi %scan3A_234, %scan3A_235 : i32
        %scan3A_237 = arith.constant 1 : i32
        %scan3A_238:4 = scf.for %scan3A_276 = %scan3A_234 to %scan3A_236 step %scan3A_237 iter_args(%scan3A_277 = %broadcast_in_dim3A_233, %scan3A_278 = %broadcast_in_dim3A_233, %scan3A_279 = %broadcast_in_dim3A_233, %scan3A_280 = %broadcast_in_dim3A_233) -> (vector<16xf32>, vector<16xf32>, vector<16xf32>, vector<16xf32>)  : i32 {
          %get3A = arith.constant 0 : i32
          %get3A_281 = arith.index_cast %scan3A_276 : i32 to index
          %get3A_282 = arith.index_cast %get3A : i32 to index
          %get3A_283 = arith.constant 0 : index
          %get3A_284 = tpu.vector_load %arg20[%get3A_281, %get3A_282, %get3A_283] {strides = array<i32>} : memref<16x4x16xf32, #tpu.memory_space<vmem>>, vector<16xf32>,
          %add3A_285 = arith.addf %scan3A_277, %get3A_284 : vector<16xf32>
          %get3A_286 = arith.constant 1 : i32
          %get3A_287 = arith.index_cast %scan3A_276 : i32 to index
          %get3A_288 = arith.index_cast %get3A_286 : i32 to index
          %get3A_289 = arith.constant 0 : index
          %get3A_290 = tpu.vector_load %arg20[%get3A_287, %get3A_288, %get3A_289] {strides = array<i32>} : memref<16x4x16xf32, #tpu.memory_space<vmem>>, vector<16xf32>,
          %add3A_291 = arith.addf %scan3A_278, %get3A_290 : vector<16xf32>
          %get3A_292 = arith.constant 2 : i32
          %get3A_293 = arith.index_cast %scan3A_276 : i32 to index
          %get3A_294 = arith.index_cast %get3A_292 : i32 to index
          %get3A_295 = arith.constant 0 : index
          %get3A_296 = tpu.vector_load %arg20[%get3A_293, %get3A_294, %get3A_295] {strides = array<i32>} : memref<16x4x16xf32, #tpu.memory_space<vmem>>, vector<16xf32>,
          %add3A_297 = arith.addf %scan3A_279, %get3A_296 : vector<16xf32>
          %get3A_298 = arith.constant 3 : i32
          %get3A_299 = arith.index_cast %scan3A_276 : i32 to index
          %get3A_300 = arith.index_cast %get3A_298 : i32 to index
          %get3A_301 = arith.constant 0 : index
          %get3A_302 = tpu.vector_load %arg20[%get3A_299, %get3A_300, %get3A_301] {strides = array<i32>} : memref<16x4x16xf32, #tpu.memory_space<vmem>>, vector<16xf32>,
          %add3A_303 = arith.addf %scan3A_280, %get3A_302 : vector<16xf32>
          scf.yield %add3A_285, %add3A_291, %add3A_297, %add3A_303 : vector<16xf32>, vector<16xf32>, vector<16xf32>, vector<16xf32>
        }
        %scan3A_239 = arith.constant 16 : i32
        %sub3A_240 = arith.subf %scan3A_238#3, %scan3A_238#1 : vector<16xf32>
        %gt3A = arith.constant 0.000000e+00 : f32
        %gt3A_241 = vector.broadcast %gt3A : f32 to vector<16xf32>
        %gt3A_242 = arith.cmpf ogt, %scan3A_238#1, %gt3A_241 : vector<16xf32>
        %max3A = arith.constant 1.000000e+00 : f32
        %max3A_243 = vector.broadcast %max3A : f32 to vector<16xf32>
        %max3A_244 = arith.maximumf %scan3A_238#1, %max3A_243 : vector<16xf32>
        %mul3A_245 = arith.constant 3.000000e+00 : f32
        %mul3A_246 = vector.broadcast %mul3A_245 : f32 to vector<16xf32>
        %mul3A_247 = arith.mulf %mul3A_246, %max3A_244 : vector<16xf32>
        %div3A_248 = arith.divf %scan3A_238#0, %mul3A_247 : vector<16xf32>
        %select_n3A = arith.select %gt3A_242, %div3A_248, %broadcast_in_dim3A_233 : vector<16xi1>, vector<16xf32>
        %gt3A_249 = arith.constant 0.000000e+00 : f32
        %gt3A_250 = vector.broadcast %gt3A_249 : f32 to vector<16xf32>
        %gt3A_251 = arith.cmpf ogt, %sub3A_240, %gt3A_250 : vector<16xf32>
        %max3A_252 = arith.constant 1.000000e+00 : f32
        %max3A_253 = vector.broadcast %max3A_252 : f32 to vector<16xf32>
        %max3A_254 = arith.maximumf %sub3A_240, %max3A_253 : vector<16xf32>
        %mul3A_255 = arith.constant 3.000000e+00 : f32
        %mul3A_256 = vector.broadcast %mul3A_255 : f32 to vector<16xf32>
        %mul3A_257 = arith.mulf %mul3A_256, %max3A_254 : vector<16xf32>
        %div3A_258 = arith.divf %scan3A_238#2, %mul3A_257 : vector<16xf32>
        %select_n3A_259 = arith.select %gt3A_251, %div3A_258, %broadcast_in_dim3A_233 : vector<16xi1>, vector<16xf32>
        %reduce_sum3A = arith.constant true
        %reduce_sum3A_260 = vector.broadcast %reduce_sum3A : i1 to vector<16xi1>
        %reduce_sum3A_261 = tpu.scan <sum>, %select_n3A masked %reduce_sum3A_260 : vector<16xf32>, vector<16xi1> -> vector<16xf32>
        %reduce_sum3A_262 = vector.extract %reduce_sum3A_261[15] : f32 from vector<16xf32>
        %mul3A_263 = arith.constant 3.125000e+00 : f32
        %mul3A_264 = arith.mulf %mul3A_263, %reduce_sum3A_262 : f32
        %reduce_sum3A_265 = arith.constant true
        %reduce_sum3A_266 = vector.broadcast %reduce_sum3A_265 : i1 to vector<16xi1>
        %reduce_sum3A_267 = tpu.scan <sum>, %select_n3A_259 masked %reduce_sum3A_266 : vector<16xf32>, vector<16xi1> -> vector<16xf32>
        %reduce_sum3A_268 = vector.extract %reduce_sum3A_267[15] : f32 from vector<16xf32>
        %mul3A_269 = arith.constant 6.250000e-02 : f32
        %mul3A_270 = arith.mulf %mul3A_269, %reduce_sum3A_268 : f32
        %add3A_271 = arith.addf %mul3A_264, %mul3A_270 : f32
        %broadcast_in_dim3A_272 = vector.broadcast %add3A_271 : f32 to vector<16xf32>
        %swap3A_273 = arith.constant 0 : index
        %swap3A_274 = tpu.vector_load %arg21[%swap3A_273] {strides = array<i32>} : memref<16xf32, #tpu.memory_space<vmem>>, vector<16xf32>,
        tpu.vector_store %arg21[%swap3A_273], %broadcast_in_dim3A_272 {strides = array<i32>} : memref<16xf32, #tpu.memory_space<vmem>>, vector<16xf32>,
        "tpu.region"() ({
          %run_scoped3A = tpu.sem_alloc : memref<!tpu.dma_semaphore, #tpu.memory_space<semaphore_mem>>
          tpu.enqueue_dma source(%arg21 : memref<16xf32, #tpu.memory_space<vmem>>) target(%arg5 : memref<16xf32, #tpu.memory_space<hbm>>) target_semaphore(%run_scoped3A : memref<!tpu.dma_semaphore, #tpu.memory_space<semaphore_mem>>)
          tpu.wait_dma2 semaphore(%run_scoped3A : memref<!tpu.dma_semaphore, #tpu.memory_space<semaphore_mem>>) src(%arg21 : memref<16xf32, #tpu.memory_space<vmem>>) dst(%arg5 : memref<16xf32, #tpu.memory_space<hbm>>)
          tpu.yield
        }) : () -> ()
        %cond3A_275 = arith.constant 0 : i32
        scf.yield %cond3A_275 : i32
      } else {
        %cond3A_232 = arith.constant 0 : i32
        scf.yield %cond3A_232 : i32
      }
      %cond3A_231 = arith.constant 0 : i32
      scf.yield %cond3A_231 : i32
    } else {
      %cond3A_4 = arith.constant 0 : i32
      scf.yield %cond3A_4 : i32
    }
    return
  }
}

</mosaic_0001>

<sc_bundles>
// kernel: _sc_loss.3.cloned.1.call-start
scs
__scs_entry_jumppad:
0x0: {  	(pc) =	sbr.rel $0x88, $3  }
0x1: {  	(tag) =	ssettag $0x0;
	lr =	simm.s32 $0x1  }
0x2: {  	[smem:$0x3F9E] =	sst lr;
	_ =	strace $0xD0000000  }
0x3: {  	_ = 	snop  }
0x4: {  	_ = 	snop  }
0x5: {  	_ = 	snop  }
0x6: {  	_ = 	snop  }
0x7: {  	_ = 	snop  }
__scs_overlays_trampoline_lowered:
0x8: {  	[smem:$0x3FAD] =	sst s0  }
0x9: {  	[smem:$0x3FAE] =	sst s1  }
0xa: {  	[smem:$0x3FAF] =	sst s2  }
0xb: {  	[smem:$0x3FB0] =	sst s3  }
0xc: {  	[smem:$0x3FB1] =	sst s4  }
0xd: {  	[smem:$0x3FB2] =	sst s5  }
0xe: {  	[smem:$0x3FB3] =	sst s6  }
0xf: {  	[smem:$0x3FB4] =	sst s7  }
0x10: {  	[smem:$0x3FB5] =	sst s8  }
0x11: {  	[smem:$0x3FB6] =	sst s9;
	s0 =	simm.s32 @!p0 $0x0  }
0x12: {  	s1 =	sld [smem:$0x3F9C];
	s0 =	simm.s32 @p0 $0x1  }
0x13: {  	[smem:$0x3FB7] =	sst s0;
	s0 =	simm.s32 @!p1 $0x0  }
0x14: {  	s2 =	sld [smem:$0x3F9B];
	s0 =	simm.s32 @p1 $0x1  }
0x15: {  	[smem:$0x3FB8] =	sst s0;
	s0 =	simm.s32 @!p2 $0x0  }
0x16: {  	s3 =	sld [smem:$0x3FDB];
	s0 =	simm.s32 @p2 $0x1  }
0x17: {  	s4 =	simm.s32 $0x1BF5;
	[smem:$0x3FBA] =	sst s0  }
0x18: {  	s0 =	sld [smem:$0x3F9D];
	_ =	swait.ge [sflag:s4], $0x0  }
0x19: {  	s7 =	sld [smem:$0x3F9E]  }
0x1a: {  	s8 =	sadd.s32 $0xFFFFE003, lr  }
0x1b: {  	s9 =	sadd.s32 $0xFFFFFEF7, lr;
	s5 =	simm.s32 $0xFFFFFFFF;
	p2 =	slt.u32 s8, $0xFFFFF086  }
0x1c: {  	p1 =	slt.u32 s9, $0xF7A;
	s5 =	simm.s32 @!p2 $0x0  }
0x1d: {  	s5 =	simm.s32 @p1 $0x1;
	p0 =	seq.s32 s7, s2  }
0x1e: {  	s7 =	smul.u32 @!p0 $0xF7A, s2;
	p2 =	seq.s32 @!p0 s5, $0x0  }
0x1f: {  	s9 =	smul.u32 $0xF7A, s1;
	s8 =	simm.s32 @!p0 $0x1BF5;
	p2 =	por !p2, p0  }
0x20: {  	[sflag:s8] =	ssyncset.s32 @!p0 $0xFFFFF086;
	s6 =	sadd.s32 @!p0 s3, s7;
	s7 =	simm.s32 @!p0 $0x108  }
0x21: {  	s3 =	sadd.s32 s3, s9;
	s6 =	sadd.s32 @!p0 $0x88, s6;
	s7 =	simm.s32 @p2 $0x1082  }
0x22: {  	[simem:s7], [sflag:s8] =	dma.local @!p0 [hbm:s6], $0xF7A  }
0x23: {  	s9 =	sor.u32 $0xD0000000, s2;
	s6 =	simm.s32 $0x108;
	_ =	swait.ge @!p0 [sflag:s8], $0x0  }
0x24: {  	s3 =	sadd.s32 $0x88, s3;
	s6 =	simm.s32 @!p1 $0x1082;
	[sflag:s4] =	ssyncset.s32 $0xFFFFF086  }
0x25: {  	[simem:s6], [sflag:s4] =	dma.local [hbm:s3], $0xF7A  }
0x26: {  	[smem:$0x3F9E] =	sst s1;
	(tag) =	ssettag s2;
	_ =	strace s9  }
0x27: {  	s1 =	sld [smem:$0x3FAE]  }
0x28: {  	s2 =	sld [smem:$0x3FAF]  }
0x29: {  	s4 =	sld [smem:$0x3FB1]  }
0x2a: {  	p0 =	seq.s32 s5, $0x0;
	s5 =	sld [smem:$0x3FB2]  }
0x2b: {  	s6 =	sld [smem:$0x3FB3]  }
0x2c: {  	s7 =	sld [smem:$0x3FB4]  }
0x2d: {  	s3 =	simm.s32 $0x108;
	s8 =	sld [smem:$0x3FB5]  }
0x2e: {  	s3 =	simm.s32 @!p0 $0x1082;
	s9 =	sld [smem:$0x3FB6]  }
0x2f: {  	lr =	sadd.s32 s0, s3;
	s0 =	sld [smem:$0x3FAD]  }
0x30: {  	s3 =	sld [smem:$0x3FB0]  }
0x31: {  	[smem:$0x3FB9] =	sst s10  }
0x32: {  	s10 =	sld [smem:$0x3FB7];
	_ =	sdelay $0x3  }
0x33: {  	p0 =	seq.s32 s10, $0x1;
	s10 =	sld [smem:$0x3FB9];
	_ =	sdelay $0x3  }
0x34: {  	[smem:$0x3FB9] =	sst s10  }
0x35: {  	s10 =	sld [smem:$0x3FB8];
	_ =	sdelay $0x3  }
0x36: {  	p1 =	seq.s32 s10, $0x1;
	s10 =	sld [smem:$0x3FB9];
	_ =	sdelay $0x3  }
0x37: {  	[smem:$0x3FB9] =	sst s10  }
0x38: {  	s10 =	sld [smem:$0x3FBA]  }
0x39: {  	_ = 	snop;
	(pc) =	sbr.ind lr, $3  }
0x3a: {  	_ = 	snop  }
0x3b: {  	_ = 	snop  }
0x3c: {  	p2 =	seq.s32 s10, $0x1;
	s10 =	sld [smem:$0x3FB9]  }
0x3d: {  	_ =	shalt  }
0x3e: {  	_ =	shalt  }
0x3f: {  	_ =	shalt  }
0x40: {  	_ =	shalt  }
0x41: {  	_ =	shalt  }
0x42: {  	_ =	shalt  }
0x43: {  	_ =	shalt  }
0x44: {  	_ =	shalt  }
0x45: {  	_ =	shalt  }
0x46: {  	_ =	shalt  }
0x47: {  	_ =	shalt  }
0x48: {  	_ =	shalt  }
0x49: {  	_ =	shalt  }
0x4a: {  	_ =	shalt  }
0x4b: {  	_ =	shalt  }
0x4c: {  	_ =	shalt  }
0x4d: {  	_ =	shalt  }
0x4e: {  	_ =	shalt  }
0x4f: {  	_ =	shalt  }
0x50: {  	_ =	shalt  }
0x51: {  	_ =	shalt  }
0x52: {  	_ =	shalt  }
0x53: {  	_ =	shalt  }
0x54: {  	_ =	shalt  }
0x55: {  	_ =	shalt  }
0x56: {  	_ =	shalt  }
0x57: {  	_ =	shalt  }
0x58: {  	_ =	shalt  }
0x59: {  	_ =	shalt  }
0x5a: {  	_ =	shalt  }
0x5b: {  	_ =	shalt  }
0x5c: {  	_ =	shalt  }
0x5d: {  	_ =	shalt  }
0x5e: {  	_ =	shalt  }
0x5f: {  	_ =	shalt  }
0x60: {  	_ =	shalt  }
0x61: {  	_ =	shalt  }
0x62: {  	_ =	shalt  }
0x63: {  	_ =	shalt  }
0x64: {  	_ =	shalt  }
0x65: {  	_ =	shalt  }
0x66: {  	_ =	shalt  }
0x67: {  	_ =	shalt  }
0x68: {  	_ =	shalt  }
0x69: {  	_ =	shalt  }
0x6a: {  	_ =	shalt  }
0x6b: {  	_ =	shalt  }
0x6c: {  	_ =	shalt  }
0x6d: {  	_ =	shalt  }
0x6e: {  	_ =	shalt  }
0x6f: {  	_ =	shalt  }
0x70: {  	_ =	shalt  }
0x71: {  	_ =	shalt  }
0x72: {  	_ =	shalt  }
0x73: {  	_ =	shalt  }
0x74: {  	_ =	shalt  }
0x75: {  	_ =	shalt  }
0x76: {  	_ =	shalt  }
0x77: {  	_ =	shalt  }
0x78: {  	_ =	shalt  }
0x79: {  	_ =	shalt  }
0x7a: {  	_ =	shalt  }
0x7b: {  	_ =	shalt  }
0x7c: {  	_ =	shalt  }
0x7d: {  	_ =	shalt  }
0x7e: {  	_ =	shalt  }
0x7f: {  	_ =	shalt  }
0x80: {  	_ =	shalt  }
0x81: {  	_ =	shalt  }
0x82: {  	_ =	shalt  }
0x83: {  	_ =	shalt  }
0x84: {  	_ =	shalt  }
0x85: {  	_ =	shalt  }
0x86: {  	_ =	shalt  }
0x87: {  	_ =	shalt  }
.Lfunc_end0:
.L_simem_size_0:
called_computation_lowered:
.L_overlay_start_0:
0x88: {  	s2 =	sld [smem:$0x3FD9]  }
0x89: {  	s3 =	sld [smem:$0x3FFE];
	_ =	sdelay $0x1  }
0x8a: {  	s1 =	srdreg.scid  }
0x8b: {  	s0 =	sand.u32 $0x1, s1  }
0x8c: {  	s17 =	sshll.u32 s0, $0xA;
	s2 =	sadd.s32 s3, s2  }
0x8d: {  	s2 =	sadd.s32 s2, s17  }
0x8e: {  	[smem:$0x3FC5] =	sst s2  }
0x8f: {  	_ = 	snop  }
0x90: {  	s2 =	sld [smem:$0x3FC7]  }
0x91: {  	s18 =	sld [smem:$0x3FD0];
	(tm) =	ssettm $0x1  }
0x92: {  	s4 =	sld [smem:$0x3FFB];
	_ =	sdelay $0x3  }
0x93: {  	_ =	strace s4  }
0x94: {  	s4 =	sld [smem:$0x3FFC];
	_ =	sdelay $0x3  }
0x95: {  	_ =	strace s4  }
0x96: {  	s4 =	sld [smem:$0x3FFD];
	_ =	sdelay $0x3  }
0x97: {  	_ =	strace s4  }
0x98: {  	_ =	strace $0x8FFFFFFF  }
0x99: {  	s19 =	sld [smem:$0x3FDB];
	_ =	sdelay $0x1  }
0x9a: {  	s5 =	simm.s32 $_scs_section_size  }
0x9b: {  	s6 =	simm.s32 $_size__tile_overlayer_lowered;
	s7 =	simm.s32 $_tile_overlayer_lowered  }
0x9c: {  	s22 =	simm.s32 $0x1BFF;
	s21 =	sshll.u32 s7, $0x1;
	s4 =	sadd.s32 s5, s19  }
0x9d: {  	s8 =	simm.s32 $0x0;
	s20 =	sshll.u32 s6, $0x1;
	s6 =	sadd.s32 s21, s4  }
0x9e: {  	[timem:s8], [sflag:s22] =	dma.local [hbm:s6], s20  }
0x9f: {  	_ =	swait.ge [sflag:s22], s20  }
0xa0: {  	s5 =	ssub.s32 $0x0, s20;
	[sflag:s22] =	ssyncset.done $0x0  }
0xa1: {  	[sflag:s22] =	ssyncadd.s32 s5;
	_ =	sdelay $0x1  }
0xa2: {  	s23 =	simm.s32 $0x1B8B  }
0xa3: {  	_ =	swait.ge [sflag:s23], $0x1  }
0xa4: {  	[sflag:s23] =	ssyncset.done $0x0  }
0xa5: {  	s25 =	simm.s32 $0x1B8E;
	s24 =	sld [smem:$0x3FFE];
	[sflag:s23] =	ssyncadd.s32 $0xFFFFFFFF  }
0xa6: {  	s26 =	simm.s32 $execute0_lowered;
	[smem:$0x3FD2] =	sst s25  }
0xa7: {  	s6 =	sshll.u32 s26, $0x1;
	_ =	strace $0x80000046;
	[dreg:$0x1] =	wrdreg $0xFFFFFFFF  }
0xa8: {  	s28 =	simm.s32 $_size_execute0_lowered;
	s4 =	sadd.s32 s4, s6;
	[dreg:$0x0] =	wrdreg $0x0  }
0xa9: {  	s6 =	sshll.u32 s28, $0x1;
	[dreg:$0x2] =	wrdreg s4  }
0xaa: {  	[dreg:$0x3] =	wrdreg s6  }
0xab: {  	[dreg:$0x4] =	wrdreg $0xC0  }
0xac: {  	_ =	task [dreg:s8], $0x5FFFF  }
0xad: {  	[dreg:$0x1] =	wrdreg $0xFFFFFFFF  }
0xae: {  	[dreg:$0x0] =	wrdreg $0x60  }
0xaf: {  	[dreg:$0x2] =	wrdreg s24  }
0xb0: {  	[dreg:$0x3] =	wrdreg s2  }
0xb1: {  	[dreg:$0x4] =	wrdreg s18  }
0xb2: {  	[dreg:$0x5] =	wrdreg $0x9  }
0xb3: {  	_ =	task.clear_ibuf [dreg:s8], $0x6FFFF;
	_ =	strace $0x90000046  }
0xb4: {  	s29 =	simm.s32 $0x9;
	_ =	strace $0x80000048  }
0xb5: {  	_ =	swait.ge [sflag:s29], $0x1  }
0xb6: {  	[sflag:s29] =	ssyncadd.s32 $0xFFFFFFFF  }
0xb7: {  	_ =	strace $0x90000048  }
0xb8: {  	_ =	sfence  }
0xb9: {  	s30 =	sld [smem:$0x0];
	_ =	sdelay $0x2  }
0xba: {  	s31 =	sshll.u32 s1, $0xD;
	s1 =	sshrl.u32 s1, $0x2  }
0xbb: {  	s3 =	sand.u32 $0x4000, s31;
	s1 =	sadd.s32 s1, s30  }
0xbc: {  	s0 =	sor.u32 s3, s0;
	s1 =	sshll.u32 s1, $0x11  }
0xbd: {  	s0 =	sor.u32 s1, s0  }
0xbe: {  	s0 =	sadd.s32 $0x8F2B, s0  }
0xbf: {  	[sflag:s0] =	ssyncadd.remote.s32 $0x1  }
0xc0: {  	_ =	sfence.sel $0xFFFF  }
0xc1: {  	[dreg:$0x0] =	wrdreg $0xFFFFFFFF;
	(pc) =	sbr.abs _section_cstart, $3  }
0xc2: {  	[dreg:$0x1] =	wrdreg $0xFFFFFFFF  }
0xc3: {  	_ =	task.clear_ibuf [dreg:s8], $0x2FFFF;
	_ =	strace $0x9FFFFFFF  }
0xc4: {  	(tm) =	ssettm $0x7FFFFFFF  }
0xc5: {  	_ =	shalt  }
tec
execute0_lowered:
.L_overlay_start_1:
0x0: {  	(tag) =	ssettag $0x1  }
0x1: {  	s3 =	rddreg [dreg:$0x0]  }
0x2: {  	s5 =	rddreg [dreg:$0x1]  }
0x3: {  	s1 =	rddreg [dreg:$0x2];
	s4 =	simm.s32 $0x0  }
0x4: {  	[smem:$0x7FF] =	sst s4  }
0x5: {  	s0 =	rddreg [dreg:$0x3];
	v0 =	vimm.f32 $2.000000000e+00;
	_ =	strace $0x80000047  }
0x6: {  	(erf) = vrcp.f32 v0;
	_ =	sdelay $0x1  }
0x7: {  	s2 =	srdreg.scid  }
0x8: {  	s2 =	sand.u32 $0x1, s2  }
0x9: {  	p0 =	seq.s32 s2, $0x1  }
.Ltmp0:
0xa: {  	_ = 	snop;
	(pc) =	sbr.rel @p0 .LBB2_13-.Ltmp0, $2  }
0xb: {  	_ =	sdelay $0x2  }
0xc: {  	s2 =	stileid.u32;
	v0 =	vpop (erf)  }
0xd: {  	s6 =	sshll.u32 s2, $0x8  }
0xe: {  	s7 =	sadd.s32 $0x3A00, s3;
	s8 =	sor.u32 $0x2000, s6  }
0xf: {  	s10 =	simm.s32 $0x2800;
	s9 =	sadd.s32 s7, s8  }
0x10: {  	[tilespmem:s10], [sflag:$0x1] =	stream.linear.gather [hbm4b:s9+s4], $0x800, $0x38;
	[tilespmem:$0x9C80] =	vst v63  }
0x11: {  	s18 =	sadd.s32 $0xA00, s3;
	s19 =	simm.s32 $0x3000;
	s5 =	sadd.s32 s5, s6  }
0x12: {  	[tilespmem:s19], [sflag:$0x2] =	stream.linear.gather [hbm4b:s5+s4], $0x800, $0x38;
	[tilespmem:$0x9C80] =	vst v63  }
0x13: {  	s20 =	sor.u32 $0x1000, s6;
	s21 =	sadd.s32 s18, s6  }
0x14: {  	[tilespmem:s4], [sflag:$0x3] =	stream.linear.gather [hbm4b:s21+s4], $0x800, $0x38;
	[tilespmem:$0x9C80] =	vst v63  }
0x15: {  	s11 =	simm.s32 $0x800;
	s22 =	sadd.s32 s18, s20  }
0x16: {  	[tilespmem:s11], [sflag:$0x4] =	stream.linear.gather [hbm4b:s22+s4], $0x800, $0x38;
	[tilespmem:$0x9C80] =	vst v63  }
0x17: {  	s23 =	simm.s32 $0x1000;
	s8 =	sadd.s32 s18, s8  }
0x18: {  	[tilespmem:s23], [sflag:$0x5] =	stream.linear.gather [hbm4b:s8+s4], $0x800, $0x38;
	[tilespmem:$0x9C80] =	vst v63  }
0x19: {  	s24 =	simm.s32 $0x1800;
	s6 =	sadd.s32 s7, s6  }
0x1a: {  	[tilespmem:s24], [sflag:$0x6] =	stream.linear.gather [hbm4b:s6+s4], $0x800, $0x38;
	[tilespmem:$0x9C80] =	vst v63  }
0x1b: {  	s25 =	simm.s32 $0x2000;
	s5 =	sadd.s32 s7, s20  }
0x1c: {  	v1 =	vimm.f32 $+Inf;
	[tilespmem:s25], [sflag:$0x7] =	stream.linear.gather [hbm4b:s5+s4], $0x800, $0x38;
	[tilespmem:$0x9C80] =	vst v63  }
0x1d: {  	v2 =	vimm.f32 $-Inf;
	[tilespmem:$0x3800] =	vst v1  }
0x1e: {  	[tilespmem:$0x4000] =	vst v2  }
0x1f: {  	[tilespmem:$0x3880] =	vst v1  }
0x20: {  	[tilespmem:$0x4080] =	vst v2  }
0x21: {  	[tilespmem:$0x3900] =	vst v1  }
0x22: {  	[tilespmem:$0x4100] =	vst v2  }
0x23: {  	[tilespmem:$0x3980] =	vst v1  }
0x24: {  	[tilespmem:$0x4180] =	vst v2  }
0x25: {  	[tilespmem:$0x3A00] =	vst v1  }
0x26: {  	[tilespmem:$0x4200] =	vst v2  }
0x27: {  	[tilespmem:$0x3A80] =	vst v1  }
0x28: {  	[tilespmem:$0x4280] =	vst v2  }
0x29: {  	[tilespmem:$0x3B00] =	vst v1  }
0x2a: {  	[tilespmem:$0x4300] =	vst v2  }
0x2b: {  	[tilespmem:$0x3B80] =	vst v1  }
0x2c: {  	[tilespmem:$0x4380] =	vst v2  }
0x2d: {  	[tilespmem:$0x3C00] =	vst v1  }
0x2e: {  	[tilespmem:$0x4400] =	vst v2  }
0x2f: {  	[tilespmem:$0x3C80] =	vst v1  }
0x30: {  	[tilespmem:$0x4480] =	vst v2  }
0x31: {  	[tilespmem:$0x3D00] =	vst v1  }
0x32: {  	[tilespmem:$0x4500] =	vst v2  }
0x33: {  	[tilespmem:$0x3D80] =	vst v1  }
0x34: {  	[tilespmem:$0x4580] =	vst v2  }
0x35: {  	[tilespmem:$0x3E00] =	vst v1  }
0x36: {  	[tilespmem:$0x4600] =	vst v2  }
0x37: {  	[tilespmem:$0x3E80] =	vst v1  }
0x38: {  	[tilespmem:$0x4680] =	vst v2  }
0x39: {  	[tilespmem:$0x3F00] =	vst v1  }
0x3a: {  	[tilespmem:$0x4700] =	vst v2  }
0x3b: {  	[tilespmem:$0x3F80] =	vst v1  }
0x3c: {  	s26 =	simm.s32 $0x1;
	[tilespmem:$0x4780] =	vst v2  }
0x3d: {  	_ =	swait.ge [sflag:s26], $0x800  }
0x3e: {  	[sflag:s26] =	ssyncset.done $0x0  }
0x3f: {  	s28 =	simm.s32 $0x2;
	[sflag:s26] =	ssyncadd.s32 $0xFFFFF800  }
0x40: {  	_ =	swait.ge [sflag:s28], $0x800  }
0x41: {  	[sflag:s28] =	ssyncset.done $0x0  }
0x42: {  	s29 =	simm.s32 $0x0;
	[sflag:s28] =	ssyncadd.s32 $0xFFFFF800  }
0x43: {  	v2 =	vld [tilespmem:s29+$0x3000];
	_ =	sdelay $0x4  }
0x44: {  	v1 =	vlaneseq.u32;
	v2 =	vshll.u32 v2, $0x7  }
0x45: {  	v2 =	vor.u32 v1, v2;
	_ =	sdelay $0x3  }
0x46: {  	s5 =	simm.s32 $0x3800;
	v4 =	vld [tilespmem:s29+$0x2800]  }
0x47: {  	v3 =	vld.idx.msk [tilespmem:v2+s5+$0x0], $0xffff;
	_ =	sdelay $0x4  }
0x48: {  	v3 =	vmin.f32 v3, v4  }
0x49: {  	s9 =	simm.s32 $0x4000;
	[tilespmem:v2+s5+$0x0] =	vst.idx.msk $0xffff, v3  }
0x4a: {  	v3 =	vld.idx.msk [tilespmem:v2+s9+$0x0], $0xffff;
	_ =	sdelay $0x2  }
0x4b: {  	s30 =	sshll.u32 s2, $0x4;
	s31 =	sshll.u32 s2, $0x6;
	s7 =	sadd.s32 $0x6A00, s3  }
0x4c: {  	s10 =	simm.s32 $0x40;
	s3 =	sadd.s32 $0x6C00, s3;
	s6 =	sadd.s32 s7, s30  }
0x4d: {  	s11 =	simm.s32 $0x80;
	s8 =	sadd.s32 $0x100, s6;
	s4 =	sadd.s32 s3, s31;
	v3 =	vmax.f32 v3, v4  }
.LBB2_2:
0x4e: {  	p0 =	sne.s32 s11, $0x1FC0  }
0x4f: {  	s12 =	sshra.s32 s10, $0x2;
	[tilespmem:v2+s9+$0x0] =	vst.idx.msk $0xffff, v3;
	s10 =	smov.u32 s11;
	s11 =	sadd.s32 $0x40, s11  }
0x50: {  	v2 =	vld [tilespmem:s12+$0x3000];
	_ =	sdelay $0x4  }
0x51: {  	v2 =	vshll.u32 v2, $0x7  }
0x52: {  	v2 =	vor.u32 v1, v2;
	_ =	sdelay $0x4  }
0x53: {  	v3 =	vld.idx.msk [tilespmem:v2+s5+$0x0], $0xffff  }
0x54: {  	v4 =	vld [tilespmem:s12+$0x2800];
	_ =	sdelay $0x4  }
0x55: {  	v3 =	vmin.f32 v3, v4  }
0x56: {  	[tilespmem:v2+s5+$0x0] =	vst.idx.msk $0xffff, v3  }
0x57: {  	v3 =	vld.idx.msk [tilespmem:v2+s9+$0x0], $0xffff;
	_ =	sdelay $0x1  }
.Ltmp1:
0x58: {  	(pc) =	sbr.rel @p0 .LBB2_2-.Ltmp1, $2  }
0x59: {  	_ =	sdelay $0x2  }
0x5a: {  	v3 =	vmax.f32 v3, v4  }
0x5b: {  	_ =	sdelay $0x3  }
0x5c: {  	s10 =	sshra.s32 s10, $0x2;
	[tilespmem:v2+s9+$0x0] =	vst.idx.msk $0xffff, v3  }
0x5d: {  	v2 =	vld [tilespmem:s10+$0x3000];
	_ =	sdelay $0x4  }
0x5e: {  	v2 =	vshll.u32 v2, $0x7  }
0x5f: {  	v1 =	vor.u32 v1, v2;
	_ =	sdelay $0x3  }
0x60: {  	v3 =	vld [tilespmem:s10+$0x2800]  }
0x61: {  	v2 =	vld.idx.msk [tilespmem:v1+s5+$0x0], $0xffff;
	_ =	sdelay $0x4  }
0x62: {  	v2 =	vmin.f32 v2, v3  }
0x63: {  	[tilespmem:v1+s5+$0x0] =	vst.idx.msk $0xffff, v2  }
0x64: {  	v2 =	vld.idx.msk [tilespmem:v1+s9+$0x0], $0xffff;
	_ =	sdelay $0x4  }
0x65: {  	v2 =	vmax.f32 v2, v3  }
0x66: {  	s31 =	simm.s32 $0x4000;
	[tilespmem:v1+s9+$0x0] =	vst.idx.msk $0xffff, v2  }
0x67: {  	v1 =	vld [tilespmem:s31+$0x0];
	_ =	sdelay $0x1  }
0x68: {  	v2 =	vld [tilespmem:s31+$0xFFFFF800];
	_ =	sdelay $0x2  }
0x69: {  	s11 =	simm.s32 $0x4080;
	(xrf0) =	vmax.scan.msk.f32 $0xffff, v1  }
0x6a: {  	v5 =	vld [tilespmem:s11+$0x0]  }
0x6b: {  	(xrf0) =	vmin.scan.msk.f32 $0xffff, v2  }
0x6c: {  	v4 =	vld [tilespmem:s11+$0xFFFFF800];
	_ =	sdelay $0x1  }
0x6d: {  	s10 =	simm.s32 $0x2  }
0x6e: {  	s5 =	simm.s32 $0x1;
	v3 =	vimm.f32 $+Inf;
	s9 =	simm.s32 $0x0;
	s11 =	simm.s32 $0x4100;
	v1 =	vimm.f32 $-Inf;
	v2 =	vlaneseq.u32;
	(xrf0) =	vmax.scan.msk.f32 $0xffff, v5;
	v5, _, _ =	vpop (xrf0)  }
.LBB2_4:
0x6f: {  	p0 =	sne.s32 s10, $0xF  }
0x70: {  	v6 =	vld [tilespmem:s11+$0x0];
	(xrf0) =	vmin.scan.msk.f32 $0xffff, v4;
	v7 =	vmov s9;
	v5 =	vbroadcast v5, $0xF;
	v8, _, _ =	vpop (xrf0);
	s9 =	smov.u32 s5;
	s5 =	smov.u32 s10;
	s10 =	sadd.s32 $0x1, s10  }
.Ltmp2:
0x71: {  	v4 =	vld [tilespmem:s11+$0xFFFFF800];
	vm0 =	veq.s32 v7, v2;
	v7 =	vbroadcast v8, $0xF;
	(pc) =	sbr.rel @p0 .LBB2_4-.Ltmp2, $3  }
0x72: {  	v1 =	vsel vm0, v5, v1  }
0x73: {  	v3 =	vsel vm0, v7, v3;
	_ =	sdelay $0x1  }
0x74: {  	s11 =	sadd.s32 $0x80, s11;
	(xrf0) =	vmax.scan.msk.f32 $0xffff, v6;
	v5, _, _ =	vpop (xrf0)  }
0x75: {  	(xrf0) =	vmin.scan.msk.f32 $0xffff, v4;
	_ =	sdelay $0x2  }
0x76: {  	v4, _, _ =	vpop (xrf0)  }
0x77: {  	v7 =	vmov s9;
	v4 =	vbroadcast v4, $0xF  }
0x78: {  	v5 =	vbroadcast v5, $0xF;
	vm0 =	veq.s32 v7, v2;
	v6, _, _ =	vpop (xrf0)  }
0x79: {  	v7 =	vmov s5;
	v3 =	vsel vm0, v4, v3;
	v8, _, _ =	vpop (xrf0);
	v4 =	vbroadcast v6, $0xF  }
0x7a: {  	vm1 =	veq.s32 v7, v2;
	v1 =	vsel vm0, v5, v1;
	v8 =	vbroadcast v8, $0xF  }
0x7b: {  	v1 =	vsel vm1, v4, v1  }
0x7c: {  	v2 =	vsel vm1, v8, v3;
	[tilespmem:$0x5880] =	vst v1  }
0x7d: {  	s20 =	simm.s32 $0x0;
	s5 =	simm.s32 $0x5800;
	[tilespmem:$0x5800] =	vst v2  }
0x7e: {  	[hbm4b:s6+s20] =	stream.linear.scatter [tilespmem:s5], [sflag:$0x1], $0x80, $0x38;
	[tilespmem:$0x9C80] =	vst v63  }
0x7f: {  	s21 =	simm.s32 $0x1;
	s6 =	simm.s32 $0x5880  }
0x80: {  	[hbm4b:s8+s20] =	stream.linear.scatter [tilespmem:s6], [sflag:$0x2], $0x80, $0x38;
	[tilespmem:$0x9C80] =	vst v63  }
0x81: {  	_ =	swait.ge [sflag:s21], $0x80  }
0x82: {  	[sflag:s21] =	ssyncset.done $0x0  }
0x83: {  	s22 =	simm.s32 $0x2;
	[sflag:s21] =	ssyncadd.s32 $0xFFFFFF80  }
0x84: {  	_ =	swait.ge [sflag:s22], $0x80  }
0x85: {  	[sflag:s22] =	ssyncset.done $0x0  }
0x86: {  	[sflag:s22] =	ssyncadd.s32 $0xFFFFFF80  }
0x87: {  	s23 =	simm.s32 $0x4800;
	s24 =	simm.s32 $0x8;
	[bflag:$0x0] =	sbarrier.arrive $0xFFFF  }
0x88: {  	[tilespmem:s23], [sflag:$0x8] =	stream.linear.gather [hbm4b:s7+s20], $0x1000, $0x38;
	[tilespmem:$0x9C80] =	vst v63  }
0x89: {  	_ =	swait.ge [sflag:s24], $0x1000  }
0x8a: {  	[sflag:s24] =	ssyncset.done $0x0  }
0x8b: {  	[sflag:s24] =	ssyncadd.s32 $0xFFFFF000  }
0x8c: {  	v1 =	vld [tilespmem:$0x4800]  }
0x8d: {  	v2 =	vld [tilespmem:$0x5000]  }
0x8e: {  	v3 =	vld [tilespmem:$0x4880]  }
0x8f: {  	v4 =	vld [tilespmem:$0x5080]  }
0x90: {  	v5 =	vld [tilespmem:$0x4900]  }
0x91: {  	v6 =	vld [tilespmem:$0x5100]  }
0x92: {  	v7 =	vld [tilespmem:$0x4980]  }
0x93: {  	v8 =	vld [tilespmem:$0x5180]  }
0x94: {  	v9 =	vld [tilespmem:$0x4A00]  }
0x95: {  	v10 =	vld [tilespmem:$0x5200]  }
0x96: {  	v11 =	vld [tilespmem:$0x4A80]  }
0x97: {  	v12 =	vld [tilespmem:$0x5280]  }
0x98: {  	v13 =	vld [tilespmem:$0x4B00]  }
0x99: {  	v14 =	vld [tilespmem:$0x5300]  }
0x9a: {  	v15 =	vld [tilespmem:$0x4B80]  }
0x9b: {  	v16 =	vld [tilespmem:$0x5380]  }
0x9c: {  	v17 =	vld [tilespmem:$0x4C00]  }
0x9d: {  	v18 =	vld [tilespmem:$0x5400]  }
0x9e: {  	v19 =	vld [tilespmem:$0x4C80]  }
0x9f: {  	v20 =	vld [tilespmem:$0x5480]  }
0xa0: {  	v21 =	vld [tilespmem:$0x4D00]  }
0xa1: {  	v22 =	vld [tilespmem:$0x5500]  }
0xa2: {  	v1 =	vmin.f32 v1, v3;
	v2 =	vmax.f32 v2, v4;
	v3 =	vld [tilespmem:$0x4D80]  }
0xa3: {  	v4 =	vld [tilespmem:$0x5580];
	v1 =	vmin.f32 v1, v5;
	v2 =	vmax.f32 v2, v6  }
0xa4: {  	v5 =	vld [tilespmem:$0x4E00];
	v1 =	vmin.f32 v1, v7;
	v2 =	vmax.f32 v2, v8  }
0xa5: {  	v6 =	vld [tilespmem:$0x5600];
	v1 =	vmin.f32 v1, v9;
	v2 =	vmax.f32 v2, v10  }
0xa6: {  	v7 =	vld [tilespmem:$0x4E80];
	v1 =	vmin.f32 v1, v11;
	v2 =	vmax.f32 v2, v12  }
0xa7: {  	v8 =	vld [tilespmem:$0x5680];
	v1 =	vmin.f32 v1, v13;
	v2 =	vmax.f32 v2, v14  }
0xa8: {  	v9 =	vld [tilespmem:$0x4F00];
	v1 =	vmin.f32 v1, v15;
	v2 =	vmax.f32 v2, v16  }
0xa9: {  	v10 =	vld [tilespmem:$0x5700];
	v1 =	vmin.f32 v1, v17;
	v2 =	vmax.f32 v2, v18  }
0xaa: {  	v11 =	vld [tilespmem:$0x4F80];
	v1 =	vmin.f32 v1, v19;
	v2 =	vmax.f32 v2, v20  }
0xab: {  	v12 =	vld [tilespmem:$0x5780];
	v1 =	vmin.f32 v1, v21;
	v2 =	vmax.f32 v2, v22  }
0xac: {  	v1 =	vmin.f32 v1, v3;
	v2 =	vmax.f32 v2, v4  }
0xad: {  	v1 =	vmin.f32 v1, v5;
	v2 =	vmax.f32 v2, v6  }
0xae: {  	v1 =	vmin.f32 v1, v7;
	v2 =	vmax.f32 v2, v8  }
0xaf: {  	v1 =	vmin.f32 v1, v9;
	v2 =	vmax.f32 v2, v10  }
0xb0: {  	v1 =	vmin.f32 v1, v11;
	v2 =	vmax.f32 v2, v12  }
0xb1: {  	v3 =	vsub.f32 v2, v1;
	_ =	sdelay $0x1  }
0xb2: {  	v3 =	vmul.f32 $4.050000010e-01, v3;
	_ =	sdelay $0x1  }
0xb3: {  	v4 =	vadd.f32 v3, v1;
	v3 =	vsub.f32 v2, v3;
	_ =	sdelay $0x1  }
0xb4: {  	v5 =	vsub.f32 v3, v4;
	_ =	sdelay $0x1  }
0xb5: {  	v1 =	vadd.f32 v2, v1;
	v2 =	vmul.f32 $1.899999980e-01, v5;
	_ =	sdelay $0x1  }
0xb6: {  	v1 =	vmul.f32 v1, v0;
	v0 =	vmul.f32 v2, v0;
	_ =	sdelay $0x1  }
0xb7: {  	[tilespmem:$0x5800] =	vst v4;
	v2 =	vsub.f32 v1, v0  }
0xb8: {  	[tilespmem:$0x5880] =	vst v3;
	v0 =	vadd.f32 v0, v1  }
0xb9: {  	[tilespmem:$0x5900] =	vst v2  }
0xba: {  	[tilespmem:$0x5980] =	vst v0;
	v0 =	vimm.f32 $0.0e+00  }
0xbb: {  	[tilespmem:$0x5A00] =	vst v0  }
0xbc: {  	[tilespmem:$0x6200] =	vst v0  }
0xbd: {  	[tilespmem:$0x6A00] =	vst v0  }
0xbe: {  	[tilespmem:$0x7200] =	vst v0  }
0xbf: {  	[tilespmem:$0x5A80] =	vst v0  }
0xc0: {  	[tilespmem:$0x6280] =	vst v0  }
0xc1: {  	[tilespmem:$0x6A80] =	vst v0  }
0xc2: {  	[tilespmem:$0x7280] =	vst v0  }
0xc3: {  	[tilespmem:$0x5B00] =	vst v0  }
0xc4: {  	[tilespmem:$0x6300] =	vst v0  }
0xc5: {  	[tilespmem:$0x6B00] =	vst v0  }
0xc6: {  	[tilespmem:$0x7300] =	vst v0  }
0xc7: {  	[tilespmem:$0x5B80] =	vst v0  }
0xc8: {  	[tilespmem:$0x6380] =	vst v0  }
0xc9: {  	[tilespmem:$0x6B80] =	vst v0  }
0xca: {  	[tilespmem:$0x7380] =	vst v0  }
0xcb: {  	[tilespmem:$0x5C00] =	vst v0  }
0xcc: {  	[tilespmem:$0x6400] =	vst v0  }
0xcd: {  	[tilespmem:$0x6C00] =	vst v0  }
0xce: {  	[tilespmem:$0x7400] =	vst v0  }
0xcf: {  	[tilespmem:$0x5C80] =	vst v0  }
0xd0: {  	[tilespmem:$0x6480] =	vst v0  }
0xd1: {  	[tilespmem:$0x6C80] =	vst v0  }
0xd2: {  	[tilespmem:$0x7480] =	vst v0  }
0xd3: {  	[tilespmem:$0x5D00] =	vst v0  }
0xd4: {  	[tilespmem:$0x6500] =	vst v0  }
0xd5: {  	[tilespmem:$0x6D00] =	vst v0  }
0xd6: {  	[tilespmem:$0x7500] =	vst v0  }
0xd7: {  	[tilespmem:$0x5D80] =	vst v0  }
0xd8: {  	[tilespmem:$0x6580] =	vst v0  }
0xd9: {  	[tilespmem:$0x6D80] =	vst v0  }
0xda: {  	[tilespmem:$0x7580] =	vst v0  }
0xdb: {  	[tilespmem:$0x5E00] =	vst v0  }
0xdc: {  	[tilespmem:$0x6600] =	vst v0  }
0xdd: {  	[tilespmem:$0x6E00] =	vst v0  }
0xde: {  	[tilespmem:$0x7600] =	vst v0  }
0xdf: {  	[tilespmem:$0x5E80] =	vst v0  }
0xe0: {  	[tilespmem:$0x6680] =	vst v0  }
0xe1: {  	[tilespmem:$0x6E80] =	vst v0  }
0xe2: {  	[tilespmem:$0x7680] =	vst v0  }
0xe3: {  	[tilespmem:$0x5F00] =	vst v0  }
0xe4: {  	[tilespmem:$0x6700] =	vst v0  }
0xe5: {  	[tilespmem:$0x6F00] =	vst v0  }
0xe6: {  	[tilespmem:$0x7700] =	vst v0  }
0xe7: {  	[tilespmem:$0x5F80] =	vst v0  }
0xe8: {  	[tilespmem:$0x6780] =	vst v0  }
0xe9: {  	[tilespmem:$0x6F80] =	vst v0  }
0xea: {  	[tilespmem:$0x7780] =	vst v0  }
0xeb: {  	[tilespmem:$0x6000] =	vst v0  }
0xec: {  	[tilespmem:$0x6800] =	vst v0  }
0xed: {  	[tilespmem:$0x7000] =	vst v0  }
0xee: {  	[tilespmem:$0x7800] =	vst v0  }
0xef: {  	[tilespmem:$0x6080] =	vst v0  }
0xf0: {  	[tilespmem:$0x6880] =	vst v0  }
0xf1: {  	[tilespmem:$0x7080] =	vst v0  }
0xf2: {  	[tilespmem:$0x7880] =	vst v0  }
0xf3: {  	[tilespmem:$0x6100] =	vst v0  }
0xf4: {  	[tilespmem:$0x6900] =	vst v0  }
0xf5: {  	[tilespmem:$0x7100] =	vst v0  }
0xf6: {  	[tilespmem:$0x7900] =	vst v0  }
0xf7: {  	[tilespmem:$0x6180] =	vst v0  }
0xf8: {  	[tilespmem:$0x6980] =	vst v0  }
0xf9: {  	[tilespmem:$0x7180] =	vst v0  }
0xfa: {  	s25 =	simm.s32 $0x3;
	[tilespmem:$0x7980] =	vst v0  }
0xfb: {  	_ =	swait.ge [sflag:s25], $0x800  }
0xfc: {  	[sflag:s25] =	ssyncset.done $0x0  }
0xfd: {  	s26 =	simm.s32 $0x4;
	[sflag:s25] =	ssyncadd.s32 $0xFFFFF800  }
0xfe: {  	_ =	swait.ge [sflag:s26], $0x800  }
0xff: {  	[sflag:s26] =	ssyncset.done $0x0  }
0x100: {  	s28 =	simm.s32 $0x5;
	[sflag:s26] =	ssyncadd.s32 $0xFFFFF800  }
0x101: {  	_ =	swait.ge [sflag:s28], $0x800  }
0x102: {  	[sflag:s28] =	ssyncset.done $0x0  }
0x103: {  	s29 =	simm.s32 $0x6;
	[sflag:s28] =	ssyncadd.s32 $0xFFFFF800  }
0x104: {  	_ =	swait.ge [sflag:s29], $0x800  }
0x105: {  	[sflag:s29] =	ssyncset.done $0x0  }
0x106: {  	s30 =	simm.s32 $0x7;
	[sflag:s29] =	ssyncadd.s32 $0xFFFFF800  }
0x107: {  	_ =	swait.ge [sflag:s30], $0x800  }
0x108: {  	[sflag:s30] =	ssyncset.done $0x0  }
0x109: {  	s31 =	simm.s32 $0x0;
	[sflag:s30] =	ssyncadd.s32 $0xFFFFF800  }
0x10a: {  	v1 =	vld [tilespmem:s31+$0x800]  }
0x10b: {  	v2 =	vld [tilespmem:s31+$0x2000]  }
0x10c: {  	v12 =	vld [tilespmem:s31+$0x3000]  }
0x10d: {  	v3 =	vld [tilespmem:s31+$0x1800]  }
0x10e: {  	v5 =	vld [tilespmem:s31+$0x0]  }
0x10f: {  	v4 =	vld [tilespmem:s31+$0x2800]  }
0x110: {  	v7 =	vld [tilespmem:s31+$0x1000];
	_ =	sdelay $0x2  }
0x111: {  	v6 =	vsub.f32 v1, v2;
	v1 =	vimm.f32 $1.000000000e+00  }
0x112: {  	v2 =	vlaneseq.u32;
	v10 =	vshll.u32 v12, $0x7;
	v16 =	vsub.f32 v5, v3  }
0x113: {  	s11 =	simm.s32 $0x5900;
	v13 =	vsub.f32 v7, v4;
	v9 =	vand.u32 $0x7FFFFFFF, v6;
	v8 =	vmul.f32 $5.000000000e-01, v6  }
0x114: {  	v3 =	vor.u32 v2, v10;
	v5 =	vmul.f32 v6, v6;
	v11 =	vadd.f32 $-2.500000000e-01, v9;
	v10 =	vld.idx.msk [tilespmem:v12+s11+$0x0], $0xffff  }
0x115: {  	v14 =	vand.u32 $0x7FFFFFFF, v16;
	v17 =	vmul.f32 $5.000000000e-01, v16;
	v8 =	vmul.f32 v8, v6;
	v6 =	vld.idx.msk [tilespmem:v12+s5+$0x0], $0xffff  }
0x116: {  	s12 =	simm.s32 $0x5980;
	s9 =	simm.s32 $0x6A00;
	s10 =	simm.s32 $0x7200;
	v7 =	vmul.f32 v16, v16;
	v18 =	vadd.f32 $-2.500000000e-01, v14;
	v15 =	vmul.f32 $5.000000000e-01, v11;
	v11 =	vld.idx.msk [tilespmem:v12+s6+$0x0], $0xffff  }
0x117: {  	s13 =	simm.s32 $0x40;
	s8 =	simm.s32 $0x5A00;
	s7 =	simm.s32 $0x6200;
	v19 =	vmul.f32 $5.000000000e-01, v13;
	v17 =	vmul.f32 v17, v16;
	v16 =	vand.u32 $0x7FFFFFFF, v13;
	v12 =	vld.idx.msk [tilespmem:v12+s12+$0x0], $0xffff  }
.LBB2_6:
0x118: {  	p0 =	sne.s32 s13, $0x1FC0;
	v18 =	vmul.f32 $5.000000000e-01, v18;
	vm0 =	vlt.f32 v9, $5.000000000e-01;
	v9 =	vmul.f32 v13, v13;
	s14 =	smov.u32 s13;
	s13 =	sadd.s32 $0x40, s13  }
0x119: {  	vm1 =	vlt.f32 v14, $5.000000000e-01;
	v14 =	vadd.f32 $-2.500000000e-01, v16;
	v13 =	vmul.f32 v19, v13  }
0x11a: {  	v8 =	vsel vm0, v8, v15;
	vm0 =	vlt.f32 v16, $5.000000000e-01;
	v17 =	vsel vm1, v17, v18  }
0x11b: {  	s14 =	sshra.s32 s14, $0x2;
	v14 =	vmul.f32 $5.000000000e-01, v14;
	vm1 =	vge.f32 v4, v6;
	vm2 =	vge.f32 v4, v10  }
0x11c: {  	v6 =	vadd.f32 v8, v17;
	vm3 =	vle.f32 v4, v11;
	vm1 =	vmand vm1, vm2  }
0x11d: {  	v8 =	vsel vm0, v13, v14;
	vm0 =	vmand vm1, vm3;
	vm1 =	vle.f32 v4, v12  }
0x11e: {  	v5 =	vadd.f32 v5, v7;
	v4 =	vadd.f32 v8, v6;
	vm0 =	vmand vm0, vm1  }
0x11f: {  	v6 =	vsel vm0, $0x3F800000, v0  }
0x120: {  	v5 =	vadd.f32 v9, v5;
	v4 =	vmul.f32 v6, v4;
	v7 =	vsub.f32 $1.000000000e+00, v6;
	_ =	sdelay $0x1  }
0x121: {  	[tilespmem:v3+s8+$0x0] =	vst.idx.add.f32.msk $0xffff, v4;
	v4 =	vmul.f32 v7, v5  }
0x122: {  	[tilespmem:v3+s7+$0x0] =	vst.idx.add.f32.msk $0xffff, v6  }
0x123: {  	[tilespmem:v3+s9+$0x0] =	vst.idx.add.f32.msk $0xffff, v4  }
0x124: {  	[tilespmem:v3+s10+$0x0] =	vst.idx.add.f32.msk $0xffff, v1  }
0x125: {  	v3 =	vld [tilespmem:s14+$0x800]  }
0x126: {  	v5 =	vld [tilespmem:s14+$0x2000]  }
0x127: {  	v12 =	vld [tilespmem:s14+$0x3000]  }
0x128: {  	v6 =	vld [tilespmem:s14+$0x1800]  }
0x129: {  	v7 =	vld [tilespmem:s14+$0x0]  }
0x12a: {  	v4 =	vld [tilespmem:s14+$0x2800]  }
0x12b: {  	v3 =	vsub.f32 v3, v5;
	v10 =	vld [tilespmem:s14+$0x1000]  }
0x12c: {  	v11 =	vshll.u32 v12, $0x7  }
0x12d: {  	v9 =	vand.u32 $0x7FFFFFFF, v3;
	v5 =	vmul.f32 $5.000000000e-01, v3  }
.Ltmp3:
0x12e: {  	v16 =	vsub.f32 v7, v6;
	v7 =	vadd.f32 $-2.500000000e-01, v9;
	(pc) =	sbr.rel @p0 .LBB2_6-.Ltmp3, $4  }
0x12f: {  	v8 =	vmul.f32 v5, v3;
	v5 =	vmul.f32 v3, v3;
	v6 =	vld.idx.msk [tilespmem:v12+s5+$0x0], $0xffff;
	v3 =	vor.u32 v2, v11  }
0x130: {  	v13 =	vsub.f32 v10, v4;
	v14 =	vand.u32 $0x7FFFFFFF, v16;
	v17 =	vmul.f32 $5.000000000e-01, v16;
	v10 =	vld.idx.msk [tilespmem:v12+s11+$0x0], $0xffff  }
0x131: {  	v15 =	vmul.f32 $5.000000000e-01, v7;
	v7 =	vmul.f32 v16, v16;
	v18 =	vadd.f32 $-2.500000000e-01, v14;
	v11 =	vld.idx.msk [tilespmem:v12+s6+$0x0], $0xffff  }
0x132: {  	v17 =	vmul.f32 v17, v16;
	v16 =	vand.u32 $0x7FFFFFFF, v13;
	v19 =	vmul.f32 $5.000000000e-01, v13;
	v12 =	vld.idx.msk [tilespmem:v12+s12+$0x0], $0xffff  }
0x133: {  	v2 =	vmul.f32 $5.000000000e-01, v18;
	vm0 =	vlt.f32 v9, $5.000000000e-01;
	v60 =	vmul.f32 v13, v13  }
0x134: {  	vm1 =	vlt.f32 v14, $5.000000000e-01;
	v62 =	vadd.f32 $-2.500000000e-01, v16;
	v61 =	vmul.f32 v19, v13  }
0x135: {  	v8 =	vsel vm0, v8, v15;
	vm0 =	vlt.f32 v16, $5.000000000e-01;
	v2 =	vsel vm1, v17, v2  }
0x136: {  	v14 =	vmul.f32 $5.000000000e-01, v62;
	vm1 =	vge.f32 v4, v6;
	vm2 =	vge.f32 v4, v10  }
0x137: {  	v2 =	vadd.f32 v8, v2;
	vm3 =	vle.f32 v4, v11;
	vm1 =	vmand vm1, vm2  }
0x138: {  	v6 =	vsel vm0, v61, v14;
	vm0 =	vmand vm1, vm3;
	vm1 =	vle.f32 v4, v12  }
0x139: {  	v4 =	vadd.f32 v5, v7;
	v2 =	vadd.f32 v6, v2;
	vm0 =	vmand vm0, vm1  }
0x13a: {  	v0 =	vsel vm0, $0x3F800000, v0  }
0x13b: {  	v4 =	vadd.f32 v60, v4;
	v2 =	vmul.f32 v0, v2;
	v5 =	vsub.f32 $1.000000000e+00, v0;
	_ =	sdelay $0x1  }
0x13c: {  	[tilespmem:v3+s8+$0x0] =	vst.idx.add.f32.msk $0xffff, v2;
	v2 =	vmul.f32 v5, v4  }
0x13d: {  	[tilespmem:v3+s7+$0x0] =	vst.idx.add.f32.msk $0xffff, v0  }
0x13e: {  	[tilespmem:v3+s9+$0x0] =	vst.idx.add.f32.msk $0xffff, v2  }
0x13f: {  	s5 =	simm.s32 $0x6A00;
	[tilespmem:v3+s10+$0x0] =	vst.idx.add.f32.msk $0xffff, v1  }
0x140: {  	v0 =	vld [tilespmem:s5+$0x800];
	_ =	sdelay $0x2  }
0x141: {  	v1 =	vld [tilespmem:s5+$0xFFFFF000]  }
0x142: {  	v2 =	vld [tilespmem:s5+$0xFFFFF800]  }
0x143: {  	(xrf2) =	vadd.scan.msk.f32 $0xffff, v0;
	_ =	sdelay $0x1  }
0x144: {  	v3 =	vld [tilespmem:s5+$0x0]  }
0x145: {  	(xrf2) =	vadd.scan.msk.f32 $0xffff, v1  }
0x146: {  	s31 =	simm.s32 $0x6A80;
	(xrf2) =	vadd.scan.msk.f32 $0xffff, v2  }
0x147: {  	v1 =	vld [tilespmem:s31+$0x800];
	_ =	sdelay $0x1  }
0x148: {  	(xrf2) =	vadd.scan.msk.f32 $0xffff, v3  }
0x149: {  	v3 =	vld [tilespmem:s31+$0xFFFFF000];
	_ =	sdelay $0x1  }
0x14a: {  	v2, _, _ =	vpop (xrf2);
	(xrf2) =	vadd.scan.msk.f32 $0xffff, v1  }
0x14b: {  	v4 =	vld [tilespmem:s31+$0xFFFFF800];
	_ =	sdelay $0x1  }
0x14c: {  	s6 =	simm.s32 $0x0;
	v5, _, _ =	vpop (xrf2);
	(xrf2) =	vadd.scan.msk.f32 $0xffff, v3  }
0x14d: {  	v7 =	vmov s6;
	v6 =	vbroadcast v2, $0xF;
	v2, _, _ =	vpop (xrf2);
	v8 =	vbroadcast v5, $0xF;
	v5 =	vld [tilespmem:s31+$0x0]  }
0x14e: {  	v0 =	vlaneseq.u32;
	v63 =	vbroadcast v2, $0xF  }
0x14f: {  	s7 =	simm.s32 $0x6B00;
	vm0 =	veq.s32 v7, v0;
	(xrf2) =	vadd.scan.msk.f32 $0xffff, v4;
	v2 =	vimm.f32 $0.0e+00  }
0x150: {  	s6 =	simm.s32 $0x1;
	s8 =	simm.s32 $0x3;
	s5 =	simm.s32 $0x2;
	v7, _, _ =	vpop (xrf2);
	v1 =	vsel vm0, v6, v2;
	v3 =	vsel vm0, v8, v2;
	v6 =	vld [tilespmem:s7+$0x800];
	v4 =	vsel vm0, v63, v2  }
.LBB2_8:
0x151: {  	p0 =	sne.s32 s8, $0xF;
	v8 =	vld [tilespmem:s7+$0xFFFFF000];
	v7 =	vbroadcast v7, $0xF  }
0x152: {  	v9 =	vld [tilespmem:s7+$0xFFFFF800];
	(xrf2) =	vadd.scan.msk.f32 $0xffff, v5  }
0x153: {  	v5 =	vld [tilespmem:s7+$0x0];
	v10, _, _ =	vpop (xrf2);
	v2 =	vsel vm0, v7, v2  }
0x154: {  	v7 =	vmov s6;
	s6 =	smov.u32 s5;
	s5 =	smov.u32 s8;
	v10 =	vbroadcast v10, $0xF  }
0x155: {  	vm0 =	veq.s32 v7, v0;
	(xrf2) =	vadd.scan.msk.f32 $0xffff, v6  }
0x156: {  	v1 =	vsel vm0, v10, v1;
	v6, _, _ =	vpop (xrf2)  }
0x157: {  	v7 =	vbroadcast v6, $0xF  }
.Ltmp4:
0x158: {  	(xrf2) =	vadd.scan.msk.f32 $0xffff, v8;
	(pc) =	sbr.rel @p0 .LBB2_8-.Ltmp4, $4  }
0x159: {  	v3 =	vsel vm0, v7, v3;
	v6, _, _ =	vpop (xrf2)  }
0x15a: {  	v8 =	vbroadcast v6, $0xF  }
0x15b: {  	s7 =	sadd.s32 $0x80, s7;
	(xrf2) =	vadd.scan.msk.f32 $0xffff, v9  }
0x15c: {  	s8 =	sadd.s32 $0x1, s8;
	v6 =	vld [tilespmem:s7+$0x800];
	v4 =	vsel vm0, v8, v4;
	v7, _, _ =	vpop (xrf2)  }
0x15d: {  	v8 =	vld [tilespmem:s7+$0xFFFFF000]  }
0x15e: {  	v9 =	vld [tilespmem:s7+$0xFFFFF800]  }
0x15f: {  	v10 =	vld [tilespmem:s7+$0x0]  }
0x160: {  	(xrf2) =	vadd.scan.msk.f32 $0xffff, v5  }
0x161: {  	(xrf2) =	vadd.scan.msk.f32 $0xffff, v6  }
0x162: {  	(xrf2) =	vadd.scan.msk.f32 $0xffff, v8  }
0x163: {  	(xrf2) =	vadd.scan.msk.f32 $0xffff, v9  }
0x164: {  	(xrf2) =	vadd.scan.msk.f32 $0xffff, v10;
	_ =	sdelay $0x2  }
0x165: {  	v50, _, _ =	vpop (xrf2)  }
0x166: {  	v51, _, _ =	vpop (xrf2)  }
0x167: {  	v7 =	vbroadcast v7, $0xF;
	v52, _, _ =	vpop (xrf2)  }
0x168: {  	v54 =	vmov s6;
	v57 =	vmov s5;
	v5 =	vbroadcast v50, $0xF;
	v53, _, _ =	vpop (xrf2)  }
0x169: {  	vm1 =	veq.s32 v54, v0;
	vm15 =	veq.s32 v57, v0;
	v6 =	vbroadcast v51, $0xF;
	v55, _, _ =	vpop (xrf2)  }
0x16a: {  	v2 =	vsel vm0, v7, v2;
	v1 =	vsel vm1, v5, v1;
	v56, _, _ =	vpop (xrf2);
	v62 =	vbroadcast v55, $0xF  }
0x16b: {  	v3 =	vsel vm1, v6, v3;
	v8 =	vbroadcast v52, $0xF;
	v6 =	vbroadcast v56, $0xF;
	v58, _, _ =	vpop (xrf2)  }
0x16c: {  	v9 =	vbroadcast v53, $0xF;
	v59 =	vbroadcast v58, $0xF;
	v60, _, _ =	vpop (xrf2);
	v63 =	vsel vm15, v62, v1  }
0x16d: {  	v4 =	vsel vm1, v8, v4;
	v3 =	vsel vm15, v6, v3;
	v61 =	vbroadcast v60, $0xF;
	[tilespmem:$0x7B80] =	vst v63  }
0x16e: {  	v2 =	vsel vm1, v9, v2;
	v0 =	vsel vm15, v59, v4;
	[tilespmem:$0x7A00] =	vst v3  }
0x16f: {  	s5 =	simm.s32 $0x0;
	v2 =	vsel vm15, v61, v2;
	[tilespmem:$0x7A80] =	vst v0  }
0x170: {  	s30 =	simm.s32 $0x7A00;
	s31 =	simm.s32 $0x1;
	p0 =	sne.s32 s2, $0x0;
	[tilespmem:$0x7B00] =	vst v2  }
0x171: {  	[hbm4b:s4+s5] =	stream.linear.scatter [tilespmem:s30], [sflag:$0x1], $0x200, $0x38;
	[tilespmem:$0x9C80] =	vst v63  }
.Ltmp5:
0x172: {  	_ =	swait.ge [sflag:s31], $0x200;
	(pc) =	sbr.rel @p0 .LBB2_13-.Ltmp5, $3  }
0x173: {  	[sflag:s31] =	ssyncset.done $0x0  }
0x174: {  	[sflag:s31] =	ssyncadd.s32 $0xFFFFFE00  }
0x175: {  	[bflag:$0x0] =	sbarrier.arrive $0xFFFF;
	_ =	sdelay $0x1  }
0x176: {  	s4 =	simm.s32 $0x7C00;
	s30 =	simm.s32 $0x8  }
0x177: {  	[tilespmem:s4], [sflag:$0x8] =	stream.linear.gather [hbm4b:s3+s5], $0x2000, $0x38;
	[tilespmem:$0x9C80] =	vst v63  }
0x178: {  	_ =	swait.ge [sflag:s30], $0x2000  }
0x179: {  	[sflag:s30] =	ssyncset.done $0x0  }
0x17a: {  	s31 =	simm.s32 $0x0;
	[sflag:s30] =	ssyncadd.s32 $0xFFFFE000  }
0x17b: {  	v5 =	vld [tilespmem:s31+$0x7D80]  }
0x17c: {  	v0 =	vld [tilespmem:s31+$0x7C00]  }
0x17d: {  	v4 =	vimm.f32 $0.0e+00;
	v6 =	vld [tilespmem:s31+$0x7C80]  }
0x17e: {  	v2 =	vimm.f32 $0.0e+00;
	v7 =	vimm.f32 $0.0e+00;
	v3 =	vimm.f32 $0.0e+00;
	s3 =	simm.s32 $0x800;
	v1 =	vld [tilespmem:s31+$0x7D00]  }
.LBB2_11:
0x17f: {  	p0 =	sne.s32 s3, $0x7800  }
.Ltmp6:
0x180: {  	s4 =	sshra.s32 s3, $0x2;
	s3 =	sadd.s32 $0x800, s3;
	v4 =	vadd.f32 v5, v4;
	(pc) =	sbr.rel @p0 .LBB2_11-.Ltmp6, $4  }
0x181: {  	v5 =	vld [tilespmem:s4+$0x7D80];
	v2 =	vadd.f32 v0, v2  }
0x182: {  	v0 =	vld [tilespmem:s4+$0x7C00];
	v7 =	vadd.f32 v6, v7  }
0x183: {  	v6 =	vld [tilespmem:s4+$0x7C80];
	v3 =	vadd.f32 v1, v3  }
0x184: {  	v1 =	vld [tilespmem:s4+$0x7D00]  }
0x185: {  	_ =	sdelay $0x2  }
0x186: {  	v4 =	vadd.f32 v5, v4;
	v58 =	vadd.f32 v6, v7;
	_ =	sdelay $0x1  }
0x187: {  	v4 =	vsub.f32 v4, v58  }
0x188: {  	v6 =	vmax.f32 v58, $1.000000000e+00  }
0x189: {  	v6 =	vmul.f32 $3.000000000e+00, v6;
	v59 =	vmax.f32 v4, $1.000000000e+00  }
0x18a: {  	v7 =	vmul.f32 $3.000000000e+00, v59  }
0x18b: {  	(erf) = vrcp.f32 v6  }
0x18c: {  	(erf) = vrcp.f32 v7;
	_ =	sdelay $0x6  }
0x18d: {  	v0 =	vadd.f32 v0, v2  }
0x18e: {  	v1 =	vadd.f32 v1, v3;
	v60 =	vpop (erf)  }
0x18f: {  	v0 =	vmul.f32 v60, v0;
	v61 =	vpop (erf)  }
0x190: {  	vm0 =	vgt.f32 v58, $0.0e+00;
	v1 =	vmul.f32 v61, v1  }
0x191: {  	vm15 =	vgt.f32 v4, $0.0e+00;
	v0 =	vnsel vm0, $0x0, v0  }
0x192: {  	(xrf2) =	vadd.scan.msk.f32 $0xffff, v0;
	v1 =	vnsel vm15, $0x0, v1  }
0x193: {  	(xrf2) =	vadd.scan.msk.f32 $0xffff, v1;
	_ =	sdelay $0x8  }
0x194: {  	v0, _, _ =	vpop (xrf2)  }
0x195: {  	(v2sf) =	vpush v0, $0xF;
	v62, _, _ =	vpop (xrf2)  }
0x196: {  	(v2sf) =	vpush v62, $0xF;
	_ =	sdelay $0xd  }
0x197: {  	s3 =	spop (v2sf)  }
0x198: {  	s3 =	smul.f32 $3.125000000e+00, s3;
	s4 =	spop (v2sf)  }
0x199: {  	s4 =	smul.f32 $6.250000000e-02, s4;
	_ =	sdelay $0x1  }
0x19a: {  	s3 =	sadd.f32 s4, s3;
	_ =	sdelay $0x1  }
0x19b: {  	v63 =	vmov s3  }
0x19c: {  	s29 =	simm.s32 $0x0;
	s30 =	simm.s32 $0x9C00;
	s31 =	simm.s32 $0x8;
	[tilespmem:$0x9C00] =	vst v63  }
0x19d: {  	[hbm4b:s1+s29] =	stream.linear.scatter [tilespmem:s30], [sflag:$0x8], $0x80, $0x38;
	[tilespmem:$0x9C80] =	vst v63  }
0x19e: {  	_ =	swait.ge [sflag:s31], $0x80  }
0x19f: {  	[sflag:s31] =	ssyncset.done $0x0  }
0x1a0: {  	[sflag:s31] =	ssyncadd.s32 $0xFFFFFF80  }
.LBB2_13:
0x1a1: {  	_ =	sfence.sel $0x180000  }
0x1a2: {  	[bflag:$0x0] =	sbarrier.arrive $0xFFFF  }
0x1a3: {  	p0 =	sne.s32 s2, $0x0;
	_ =	strace $0x90000047  }
0x1a4: {  	s0 =	sadd.s32 @!p0 $0x100000, s0;
	[bflag:$0x2] =	sbarrier.arrive $0xFFFF  }
0x1a5: {  	[sflag:s0] =	ssyncadd.tile.s32 @!p0 $0x1;
	_ =	shalt  }
.Lfunc_end2:
_tile_overlayer_lowered:
.L_overlay_start_2:
0x1a6: {  	(tag) =	ssettag $0x2  }
0x1a7: {  	s0 =	rddreg [dreg:$0x0];
	s2 =	stileid.u32  }
0x1a8: {  	s1 =	rddreg [dreg:$0x1];
	p0 =	sne.s32 s2, $0x0  }
0x1a9: {  	s3 =	rddreg [dreg:$0x2];
	[bflag:$0x3] =	sbarrier.arrive $0xFFFF;
	s2 =	simm.s32 @!p0 $0x1C08  }
0x1aa: {  	[timem:s3], [sflag:s2] =	dma.local @!p0 [hbm:s0], s1  }
0x1ab: {  	s0 =	simm.s32 @!p0 $0x8  }
0x1ac: {  	_ =	swait.ge @!p0 [sflag:s0], s1  }
0x1ad: {  	s1 =	ssub.s32 @!p0 $0x0, s1;
	[sflag:s0] =	ssyncset.done @!p0 $0x0  }
0x1ae: {  	[sflag:s0] =	ssyncadd.s32 @!p0 s1  }
0x1af: {  	[bflag:$0x3] =	sbarrier.arrive $0xFFFF  }
0x1b0: {  	_ =	shalt  }

</sc_bundles>
